<compile_context>
chip_gen: v7x
topology: tpu7x:2x2x1
jax: 0.10.2.dev20260603
libtpu: 0.0.44.dev20260713+nightly
codegen_flags: <defaults>
</compile_context>

<pallas_src>
import functools

import jax
import jax.numpy as jnp
from jax import lax
from jax.experimental import pallas as pl
from jax.experimental.pallas import tpu as pltpu
from jax.experimental.pallas import tpu_sc as plsc

N = 500000
TBL = 1 << 20
D = 16
P0, P1, P2 = 73856093, 19349663, 83492791

NPAD = 524288
ROWS_PER_TILE = NPAD // 16
HCHUNK = 2048
SCHUNK = 16384
QCHUNK = 128
NQ = (N + QCHUNK - 1) // QCHUNK
OUTW = NQ * QCHUNK
NTILES = 32
P3_ITERS = (NQ + NTILES - 1) // NTILES
SLOTS = TBL // 16


def _fori(n, body):
    def b(i, carry):
        body(i, carry)
        return carry

    lax.fori_loop(jnp.int32(0), jnp.int32(n), b, jnp.int32(0))


def _body(coords_hbm, *rest):
    feat_hbm = rest[:D]
    (out_hbm, table_hbm, h_hbm,
     cbuf, hbuf, tblv, sbuf, hq, wq, rq, obuf, sem) = rest[D:]
    c = lax.axis_index("c")
    s = lax.axis_index("s")
    lane = lax.iota(jnp.int32, 16)

    def p1_chunk(k, _):
        row0 = pl.multiple_of(s * ROWS_PER_TILE + k * HCHUNK, 128)

        def p1_vreg(j, _):
            x = cbuf[0, pl.ds(j * 16, 16)]
            y = cbuf[1, pl.ds(j * 16, 16)]
            z = cbuf[2, pl.ds(j * 16, 16)]
            h = (x * P0 + y * P1 + z * P2) & (TBL - 1)
            hbuf[pl.ds(j * 16, 16)] = h
            return 0

        pltpu.sync_copy(coords_hbm.at[:, pl.ds(row0, HCHUNK)], cbuf)
        _fori(HCHUNK // 16, p1_vreg)
        pltpu.sync_copy(hbuf, h_hbm.at[pl.ds(row0, HCHUNK)])
        return 0

    _fori(ROWS_PER_TILE // HCHUNK, p1_chunk)

    zero16 = jnp.zeros((16,), jnp.int32)

    def p2_zero(j, _):
        tblv[pl.ds(j * 16, 16)] = zero16
        return 0

    _fori(SLOTS // 16, p2_zero)
    plsc.subcore_barrier()

    def p2_chunk(kc, _):
        base = kc * SCHUNK
        pltpu.sync_copy(h_hbm.at[pl.ds(base, SCHUNK)], sbuf)

        def p2_vreg(j, _):
            hv = sbuf[pl.ds(j * 16, 16)]
            iv = base + j * 16 + lane
            m = ((hv >> 16) == s) & (iv < N)
            plsc.store_scatter(tblv, [hv & (SLOTS - 1)], iv + 1, mask=m)
            return 0

        _fori(SCHUNK // 16, p2_vreg)
        return 0

    _fori(NPAD // SCHUNK, p2_chunk)
    pltpu.sync_copy(tblv, table_hbm.at[pl.ds(s * SLOTS, SLOTS)])
    plsc.subcore_barrier()

    wid = s * 2 + c

    def p3_chunk(j, _):
        q = wid + NTILES * j

        @pl.when(q < NQ)
        def _():
            base = pl.multiple_of(q * QCHUNK, 128)
            pltpu.sync_copy(h_hbm.at[pl.ds(base, QCHUNK)], hq)
            pltpu.async_copy(table_hbm.at[hq], wq, sem).wait()

            def p3_fix(t, _):
                wv = wq[pl.ds(t * 16, 16)]
                rq[pl.ds(t * 16, 16)] = jnp.maximum(wv - 1, 0)
                return 0

            _fori(QCHUNK // 16, p3_fix)
            descs = [
                pltpu.async_copy(feat_hbm[d].at[rq],
                                 obuf.at[jnp.int32(d)], sem)
                for d in range(D)
            ]
            for desc in descs:
                desc.wait()
            pltpu.sync_copy(obuf, out_hbm.at[:, pl.ds(base, QCHUNK)])

        return 0

    _fori(1, p3_chunk)


_sc_call = functools.partial(
    pl.kernel,
    out_type=[
        jax.ShapeDtypeStruct((D, OUTW), jnp.float32),
        jax.ShapeDtypeStruct((TBL,), jnp.int32),
        jax.ShapeDtypeStruct((NPAD,), jnp.int32),
    ],
    mesh=plsc.VectorSubcoreMesh(core_axis_name="c", subcore_axis_name="s"),
    compiler_params=pltpu.CompilerParams(needs_layout_passes=False),
    scratch_types=[
        pltpu.VMEM((3, HCHUNK), jnp.int32),
        pltpu.VMEM((HCHUNK,), jnp.int32),
        pltpu.VMEM((SLOTS,), jnp.int32),
        pltpu.VMEM((SCHUNK,), jnp.int32),
        pltpu.VMEM((QCHUNK,), jnp.int32),
        pltpu.VMEM((QCHUNK,), jnp.int32),
        pltpu.VMEM((QCHUNK,), jnp.int32),
        pltpu.VMEM((D, QCHUNK), jnp.float32),
        pltpu.SemaphoreType.DMA,
    ],
)(_body)


def kernel(coords, features):
    ct = jnp.pad(coords.T.astype(jnp.int32), ((0, 0), (0, NPAD - N)))
    planes = [features[:, d] for d in range(D)]
    outT, _, _ = _sc_call(ct, *planes)
    return outT[:, :N].T

# --- scband reference (transcript-rebuilt; emitter-appended) ---
"""Pipeline reference for scband-hash-table-32083405701408 (READ-ONLY COPY).

The authoritative reference and input builder live on the scoring server;
editing this copy changes nothing except your own understanding.
"""

import jax
jax.config.update("jax_enable_x64", True)
import jax.numpy as jnp
import numpy as np

PRIMES = (73856093, 19349663, 83492791)
TABLE_SIZE = 1048576
N = 500000
D = 16


def _hash(coords, table_size):
    # Faithful to HashTable._hash: h = x*p0 + y*p1 + z*p2, then h % table_size.
    h = coords[:, 0] * PRIMES[0] + coords[:, 1] * PRIMES[1] + coords[:, 2] * PRIMES[2]
    return jnp.mod(h, table_size)


def setup_inputs(seed: int = 0) -> dict:
    key = jax.random.key(seed)
    k1, k2 = jax.random.split(key)
    coords = jax.random.randint(k1, (N, 3), 0, 1024, dtype=jnp.int64)
    features = jax.random.normal(k2, (N, D), dtype=jnp.float32)
    return {"coords": coords, "features": features}


def reference(coords, features):
    # insert(coords, features): dict comprehension over zip(h, features) ->
    # for duplicate hash keys the LAST feature wins (scatter-overwrite).
    h = _hash(coords, TABLE_SIZE)
    table = jnp.zeros((TABLE_SIZE, features.shape[1]), dtype=features.dtype)
    table = table.at[h].set(features)
    # query(coords): lookup by the same hash keys (missing -> zeros here; all
    # queried keys are present since we query the inserted coords).
    out = jnp.take(table, h, axis=0)
    return out

if __name__ == "__main__":
    import jax
    _d = setup_inputs()
    print(jax.jit(kernel)(*tuple(_d.values())))

</pallas_src>

<mosaic_0001>
#map = affine_map<(d0, d1) -> (0, 0)>
#map1 = affine_map<(d0, d1) -> (0)>
module attributes {stable_mosaic.version = 14 : i64} {
  func.func @_body(%arg0: i32, %arg1: i32, %arg2: memref<3x524288xi32, #tpu.memory_space<hbm>>, %arg3: memref<500000xf32, #tpu.memory_space<hbm>>, %arg4: memref<500000xf32, #tpu.memory_space<hbm>>, %arg5: memref<500000xf32, #tpu.memory_space<hbm>>, %arg6: memref<500000xf32, #tpu.memory_space<hbm>>, %arg7: memref<500000xf32, #tpu.memory_space<hbm>>, %arg8: memref<500000xf32, #tpu.memory_space<hbm>>, %arg9: memref<500000xf32, #tpu.memory_space<hbm>>, %arg10: memref<500000xf32, #tpu.memory_space<hbm>>, %arg11: memref<500000xf32, #tpu.memory_space<hbm>>, %arg12: memref<500000xf32, #tpu.memory_space<hbm>>, %arg13: memref<500000xf32, #tpu.memory_space<hbm>>, %arg14: memref<500000xf32, #tpu.memory_space<hbm>>, %arg15: memref<500000xf32, #tpu.memory_space<hbm>>, %arg16: memref<500000xf32, #tpu.memory_space<hbm>>, %arg17: memref<500000xf32, #tpu.memory_space<hbm>>, %arg18: memref<500000xf32, #tpu.memory_space<hbm>>, %arg19: memref<16x500096xf32, #tpu.memory_space<hbm>>, %arg20: memref<1048576xi32, #tpu.memory_space<hbm>>, %arg21: memref<524288xi32, #tpu.memory_space<hbm>>, %arg22: memref<3x2048xi32, #tpu.memory_space<vmem>>, %arg23: memref<2048xi32, #tpu.memory_space<vmem>>, %arg24: memref<65536xi32, #tpu.memory_space<vmem>>, %arg25: memref<16384xi32, #tpu.memory_space<vmem>>, %arg26: memref<128xi32, #tpu.memory_space<vmem>>, %arg27: memref<128xi32, #tpu.memory_space<vmem>>, %arg28: memref<128xi32, #tpu.memory_space<vmem>>, %arg29: memref<16x128xf32, #tpu.memory_space<vmem>>, %arg30: memref<!tpu.dma_semaphore, #tpu.memory_space<semaphore_mem>>) attributes {dimension_semantics = [#tpu.dimension_semantics<core_parallel>, #tpu.dimension_semantics<subcore_parallel>], iteration_bounds = array<i64: 2, 16>, scalar_prefetch = 0 : i64, scratch_operands = 9 : i64, tpu.core_type = #tpu.core_type<sc_vector_subcore>, window_params = [{transform_indices = #map}, {transform_indices = #map1}, {transform_indices = #map1}, {transform_indices = #map1}, {transform_indices = #map1}, {transform_indices = #map1}, {transform_indices = #map1}, {transform_indices = #map1}, {transform_indices = #map1}, {transform_indices = #map1}, {transform_indices = #map1}, {transform_indices = #map1}, {transform_indices = #map1}, {transform_indices = #map1}, {transform_indices = #map1}, {transform_indices = #map1}, {transform_indices = #map1}, {transform_indices = #map}, {transform_indices = #map1}, {transform_indices = #map1}]} {
    %iota3A = tpu.iota {dimensions = array<i32: 0>} : vector<16xi32>
    %while3A = arith.constant 0 : i32
    %while3A_0 = arith.constant 0 : i32
    %while3A_1 = arith.constant 16 : i32
    %while3A_2 = arith.subi %while3A_1, %while3A_0 : i32
    %while3A_3 = arith.addi %while3A_0, %while3A_2 : i32
    %while3A_4 = arith.constant 1 : i32
    %while3A_5 = arith.divsi %while3A_2, %while3A_4 : i32
    %while3A_6 = arith.muli %while3A_5, %while3A_4 : i32
    %while3A_7 = arith.addi %while3A_0, %while3A_6 : i32
    %while3A_8 = arith.constant 1 : i32
    scf.for %while3A_48 = %while3A_0 to %while3A_7 step %while3A_8  : i32 {
      %mul3A_49 = arith.constant 32768 : i32
      %mul3A_50 = arith.muli %arg1, %mul3A_49 : i32
      %mul3A_51 = arith.constant 2048 : i32
      %mul3A_52 = arith.muli %while3A_48, %mul3A_51 : i32
      %add3A_53 = arith.addi %mul3A_50, %mul3A_52 : i32
      %multiple_of3A = tpu.assume_multiple %add3A_53, 128 : i32
      "tpu.region"() ({
        %run_scoped3A = tpu.sem_alloc : memref<!tpu.dma_semaphore, #tpu.memory_space<semaphore_mem>>
        %dma_start3A = arith.constant 0 : i32
        %dma_start3A_65 = tpu.memref_slice %arg2[%dma_start3A, %multiple_of3A] : memref<3x524288xi32, #tpu.memory_space<hbm>> -> memref<3x2048xi32, #tpu.memory_space<hbm>>
        %dma_start3A_66 = arith.constant 0 : i32
        %dma_start3A_67 = tpu.memref_slice %arg2[%dma_start3A_66, %multiple_of3A] : memref<3x524288xi32, #tpu.memory_space<hbm>> -> memref<3x2048xi32, #tpu.memory_space<hbm>>
        tpu.enqueue_dma source(%dma_start3A_67 : memref<3x2048xi32, #tpu.memory_space<hbm>>) target(%arg22 : memref<3x2048xi32, #tpu.memory_space<vmem>>) target_semaphore(%run_scoped3A : memref<!tpu.dma_semaphore, #tpu.memory_space<semaphore_mem>>)
        %dma_wait3A = arith.constant 0 : i32
        %dma_wait3A_68 = tpu.memref_slice %arg2[%dma_wait3A, %multiple_of3A] : memref<3x524288xi32, #tpu.memory_space<hbm>> -> memref<3x2048xi32, #tpu.memory_space<hbm>>
        %dma_wait3A_69 = arith.constant 0 : i32
        %dma_wait3A_70 = tpu.memref_slice %arg2[%dma_wait3A_69, %multiple_of3A] : memref<3x524288xi32, #tpu.memory_space<hbm>> -> memref<3x2048xi32, #tpu.memory_space<hbm>>
        tpu.wait_dma2 semaphore(%run_scoped3A : memref<!tpu.dma_semaphore, #tpu.memory_space<semaphore_mem>>) src(%dma_wait3A_70 : memref<3x2048xi32, #tpu.memory_space<hbm>>) dst(%arg22 : memref<3x2048xi32, #tpu.memory_space<vmem>>)
        tpu.yield
      }) : () -> ()
      %while3A_54 = arith.constant 0 : i32
      %while3A_55 = arith.constant 0 : i32
      %while3A_56 = arith.constant 128 : i32
      %while3A_57 = arith.subi %while3A_56, %while3A_55 : i32
      %while3A_58 = arith.addi %while3A_55, %while3A_57 : i32
      %while3A_59 = arith.constant 1 : i32
      %while3A_60 = arith.divsi %while3A_57, %while3A_59 : i32
      %while3A_61 = arith.muli %while3A_60, %while3A_59 : i32
      %while3A_62 = arith.addi %while3A_55, %while3A_61 : i32
      %while3A_63 = arith.constant 1 : i32
      scf.for %while3A_65 = %while3A_55 to %while3A_62 step %while3A_63  : i32 {
        %mul3A_66 = arith.constant 16 : i32
        %mul3A_67 = arith.muli %while3A_65, %mul3A_66 : i32
        %get3A = arith.constant 0 : i64
        %get3A_68 = arith.index_cast %get3A : i64 to index
        %get3A_69 = arith.index_cast %mul3A_67 : i32 to index
        %get3A_70 = tpu.vector_load %arg22[%get3A_68, %get3A_69] {strides = array<i32>} : memref<3x2048xi32, #tpu.memory_space<vmem>>, vector<16xi32>,
        %mul3A_71 = arith.constant 16 : i32
        %mul3A_72 = arith.muli %while3A_65, %mul3A_71 : i32
        %get3A_73 = arith.constant 1 : i64
        %get3A_74 = arith.index_cast %get3A_73 : i64 to index
        %get3A_75 = arith.index_cast %mul3A_72 : i32 to index
        %get3A_76 = tpu.vector_load %arg22[%get3A_74, %get3A_75] {strides = array<i32>} : memref<3x2048xi32, #tpu.memory_space<vmem>>, vector<16xi32>,
        %mul3A_77 = arith.constant 16 : i32
        %mul3A_78 = arith.muli %while3A_65, %mul3A_77 : i32
        %get3A_79 = arith.constant 2 : i64
        %get3A_80 = arith.index_cast %get3A_79 : i64 to index
        %get3A_81 = arith.index_cast %mul3A_78 : i32 to index
        %get3A_82 = tpu.vector_load %arg22[%get3A_80, %get3A_81] {strides = array<i32>} : memref<3x2048xi32, #tpu.memory_space<vmem>>, vector<16xi32>,
        %mul3A_83 = arith.constant 73856093 : i32
        %mul3A_84 = vector.broadcast %mul3A_83 : i32 to vector<16xi32>
        %mul3A_85 = arith.muli %get3A_70, %mul3A_84 : vector<16xi32>
        %mul3A_86 = arith.constant 19349663 : i32
        %mul3A_87 = vector.broadcast %mul3A_86 : i32 to vector<16xi32>
        %mul3A_88 = arith.muli %get3A_76, %mul3A_87 : vector<16xi32>
        %add3A_89 = arith.addi %mul3A_85, %mul3A_88 : vector<16xi32>
        %mul3A_90 = arith.constant 83492791 : i32
        %mul3A_91 = vector.broadcast %mul3A_90 : i32 to vector<16xi32>
        %mul3A_92 = arith.muli %get3A_82, %mul3A_91 : vector<16xi32>
        %add3A_93 = arith.addi %add3A_89, %mul3A_92 : vector<16xi32>
        %and3A = arith.constant 1048575 : i32
        %and3A_94 = vector.broadcast %and3A : i32 to vector<16xi32>
        %and3A_95 = arith.andi %add3A_93, %and3A_94 : vector<16xi32>
        %mul3A_96 = arith.constant 16 : i32
        %mul3A_97 = arith.muli %while3A_65, %mul3A_96 : i32
        %swap3A = arith.index_cast %mul3A_97 : i32 to index
        %swap3A_98 = tpu.vector_load %arg23[%swap3A] {strides = array<i32>} : memref<2048xi32, #tpu.memory_space<vmem>>, vector<16xi32>,
        tpu.vector_store %arg23[%swap3A], %and3A_95 {strides = array<i32>} : memref<2048xi32, #tpu.memory_space<vmem>>, vector<16xi32>,
      }
      %while3A_64 = arith.constant 1 : i32
      scf.for %while3A_65 = %while3A_62 to %while3A_58 step %while3A_64  : i32 {
        %mul3A_66 = arith.constant 16 : i32
        %mul3A_67 = arith.muli %while3A_65, %mul3A_66 : i32
        %get3A = arith.constant 0 : i64
        %get3A_68 = arith.index_cast %get3A : i64 to index
        %get3A_69 = arith.index_cast %mul3A_67 : i32 to index
        %get3A_70 = tpu.vector_load %arg22[%get3A_68, %get3A_69] {strides = array<i32>} : memref<3x2048xi32, #tpu.memory_space<vmem>>, vector<16xi32>,
        %mul3A_71 = arith.constant 16 : i32
        %mul3A_72 = arith.muli %while3A_65, %mul3A_71 : i32
        %get3A_73 = arith.constant 1 : i64
        %get3A_74 = arith.index_cast %get3A_73 : i64 to index
        %get3A_75 = arith.index_cast %mul3A_72 : i32 to index
        %get3A_76 = tpu.vector_load %arg22[%get3A_74, %get3A_75] {strides = array<i32>} : memref<3x2048xi32, #tpu.memory_space<vmem>>, vector<16xi32>,
        %mul3A_77 = arith.constant 16 : i32
        %mul3A_78 = arith.muli %while3A_65, %mul3A_77 : i32
        %get3A_79 = arith.constant 2 : i64
        %get3A_80 = arith.index_cast %get3A_79 : i64 to index
        %get3A_81 = arith.index_cast %mul3A_78 : i32 to index
        %get3A_82 = tpu.vector_load %arg22[%get3A_80, %get3A_81] {strides = array<i32>} : memref<3x2048xi32, #tpu.memory_space<vmem>>, vector<16xi32>,
        %mul3A_83 = arith.constant 73856093 : i32
        %mul3A_84 = vector.broadcast %mul3A_83 : i32 to vector<16xi32>
        %mul3A_85 = arith.muli %get3A_70, %mul3A_84 : vector<16xi32>
        %mul3A_86 = arith.constant 19349663 : i32
        %mul3A_87 = vector.broadcast %mul3A_86 : i32 to vector<16xi32>
        %mul3A_88 = arith.muli %get3A_76, %mul3A_87 : vector<16xi32>
        %add3A_89 = arith.addi %mul3A_85, %mul3A_88 : vector<16xi32>
        %mul3A_90 = arith.constant 83492791 : i32
        %mul3A_91 = vector.broadcast %mul3A_90 : i32 to vector<16xi32>
        %mul3A_92 = arith.muli %get3A_82, %mul3A_91 : vector<16xi32>
        %add3A_93 = arith.addi %add3A_89, %mul3A_92 : vector<16xi32>
        %and3A = arith.constant 1048575 : i32
        %and3A_94 = vector.broadcast %and3A : i32 to vector<16xi32>
        %and3A_95 = arith.andi %add3A_93, %and3A_94 : vector<16xi32>
        %mul3A_96 = arith.constant 16 : i32
        %mul3A_97 = arith.muli %while3A_65, %mul3A_96 : i32
        %swap3A = arith.index_cast %mul3A_97 : i32 to index
        %swap3A_98 = tpu.vector_load %arg23[%swap3A] {strides = array<i32>} : memref<2048xi32, #tpu.memory_space<vmem>>, vector<16xi32>,
        tpu.vector_store %arg23[%swap3A], %and3A_95 {strides = array<i32>} : memref<2048xi32, #tpu.memory_space<vmem>>, vector<16xi32>,
      }
      "tpu.region"() ({
        %run_scoped3A = tpu.sem_alloc : memref<!tpu.dma_semaphore, #tpu.memory_space<semaphore_mem>>
        %dma_start3A = tpu.memref_slice %arg21[%multiple_of3A] : memref<524288xi32, #tpu.memory_space<hbm>> -> memref<2048xi32, #tpu.memory_space<hbm>>
        %dma_start3A_65 = tpu.memref_slice %arg21[%multiple_of3A] : memref<524288xi32, #tpu.memory_space<hbm>> -> memref<2048xi32, #tpu.memory_space<hbm>>
        tpu.enqueue_dma source(%arg23 : memref<2048xi32, #tpu.memory_space<vmem>>) target(%dma_start3A_65 : memref<2048xi32, #tpu.memory_space<hbm>>) target_semaphore(%run_scoped3A : memref<!tpu.dma_semaphore, #tpu.memory_space<semaphore_mem>>)
        %dma_wait3A = tpu.memref_slice %arg21[%multiple_of3A] : memref<524288xi32, #tpu.memory_space<hbm>> -> memref<2048xi32, #tpu.memory_space<hbm>>
        %dma_wait3A_66 = tpu.memref_slice %arg21[%multiple_of3A] : memref<524288xi32, #tpu.memory_space<hbm>> -> memref<2048xi32, #tpu.memory_space<hbm>>
        tpu.wait_dma2 semaphore(%run_scoped3A : memref<!tpu.dma_semaphore, #tpu.memory_space<semaphore_mem>>) src(%arg23 : memref<2048xi32, #tpu.memory_space<vmem>>) dst(%dma_wait3A_66 : memref<2048xi32, #tpu.memory_space<hbm>>)
        tpu.yield
      }) : () -> ()
    }
    %while3A_9 = arith.constant 1 : i32
    scf.for %while3A_48 = %while3A_7 to %while3A_3 step %while3A_9  : i32 {
      %mul3A_49 = arith.constant 32768 : i32
      %mul3A_50 = arith.muli %arg1, %mul3A_49 : i32
      %mul3A_51 = arith.constant 2048 : i32
      %mul3A_52 = arith.muli %while3A_48, %mul3A_51 : i32
      %add3A_53 = arith.addi %mul3A_50, %mul3A_52 : i32
      %multiple_of3A = tpu.assume_multiple %add3A_53, 128 : i32
      "tpu.region"() ({
        %run_scoped3A = tpu.sem_alloc : memref<!tpu.dma_semaphore, #tpu.memory_space<semaphore_mem>>
        %dma_start3A = arith.constant 0 : i32
        %dma_start3A_65 = tpu.memref_slice %arg2[%dma_start3A, %multiple_of3A] : memref<3x524288xi32, #tpu.memory_space<hbm>> -> memref<3x2048xi32, #tpu.memory_space<hbm>>
        %dma_start3A_66 = arith.constant 0 : i32
        %dma_start3A_67 = tpu.memref_slice %arg2[%dma_start3A_66, %multiple_of3A] : memref<3x524288xi32, #tpu.memory_space<hbm>> -> memref<3x2048xi32, #tpu.memory_space<hbm>>
        tpu.enqueue_dma source(%dma_start3A_67 : memref<3x2048xi32, #tpu.memory_space<hbm>>) target(%arg22 : memref<3x2048xi32, #tpu.memory_space<vmem>>) target_semaphore(%run_scoped3A : memref<!tpu.dma_semaphore, #tpu.memory_space<semaphore_mem>>)
        %dma_wait3A = arith.constant 0 : i32
        %dma_wait3A_68 = tpu.memref_slice %arg2[%dma_wait3A, %multiple_of3A] : memref<3x524288xi32, #tpu.memory_space<hbm>> -> memref<3x2048xi32, #tpu.memory_space<hbm>>
        %dma_wait3A_69 = arith.constant 0 : i32
        %dma_wait3A_70 = tpu.memref_slice %arg2[%dma_wait3A_69, %multiple_of3A] : memref<3x524288xi32, #tpu.memory_space<hbm>> -> memref<3x2048xi32, #tpu.memory_space<hbm>>
        tpu.wait_dma2 semaphore(%run_scoped3A : memref<!tpu.dma_semaphore, #tpu.memory_space<semaphore_mem>>) src(%dma_wait3A_70 : memref<3x2048xi32, #tpu.memory_space<hbm>>) dst(%arg22 : memref<3x2048xi32, #tpu.memory_space<vmem>>)
        tpu.yield
      }) : () -> ()
      %while3A_54 = arith.constant 0 : i32
      %while3A_55 = arith.constant 0 : i32
      %while3A_56 = arith.constant 128 : i32
      %while3A_57 = arith.subi %while3A_56, %while3A_55 : i32
      %while3A_58 = arith.addi %while3A_55, %while3A_57 : i32
      %while3A_59 = arith.constant 1 : i32
      %while3A_60 = arith.divsi %while3A_57, %while3A_59 : i32
      %while3A_61 = arith.muli %while3A_60, %while3A_59 : i32
      %while3A_62 = arith.addi %while3A_55, %while3A_61 : i32
      %while3A_63 = arith.constant 1 : i32
      scf.for %while3A_65 = %while3A_55 to %while3A_62 step %while3A_63  : i32 {
        %mul3A_66 = arith.constant 16 : i32
        %mul3A_67 = arith.muli %while3A_65, %mul3A_66 : i32
        %get3A = arith.constant 0 : i64
        %get3A_68 = arith.index_cast %get3A : i64 to index
        %get3A_69 = arith.index_cast %mul3A_67 : i32 to index
        %get3A_70 = tpu.vector_load %arg22[%get3A_68, %get3A_69] {strides = array<i32>} : memref<3x2048xi32, #tpu.memory_space<vmem>>, vector<16xi32>,
        %mul3A_71 = arith.constant 16 : i32
        %mul3A_72 = arith.muli %while3A_65, %mul3A_71 : i32
        %get3A_73 = arith.constant 1 : i64
        %get3A_74 = arith.index_cast %get3A_73 : i64 to index
        %get3A_75 = arith.index_cast %mul3A_72 : i32 to index
        %get3A_76 = tpu.vector_load %arg22[%get3A_74, %get3A_75] {strides = array<i32>} : memref<3x2048xi32, #tpu.memory_space<vmem>>, vector<16xi32>,
        %mul3A_77 = arith.constant 16 : i32
        %mul3A_78 = arith.muli %while3A_65, %mul3A_77 : i32
        %get3A_79 = arith.constant 2 : i64
        %get3A_80 = arith.index_cast %get3A_79 : i64 to index
        %get3A_81 = arith.index_cast %mul3A_78 : i32 to index
        %get3A_82 = tpu.vector_load %arg22[%get3A_80, %get3A_81] {strides = array<i32>} : memref<3x2048xi32, #tpu.memory_space<vmem>>, vector<16xi32>,
        %mul3A_83 = arith.constant 73856093 : i32
        %mul3A_84 = vector.broadcast %mul3A_83 : i32 to vector<16xi32>
        %mul3A_85 = arith.muli %get3A_70, %mul3A_84 : vector<16xi32>
        %mul3A_86 = arith.constant 19349663 : i32
        %mul3A_87 = vector.broadcast %mul3A_86 : i32 to vector<16xi32>
        %mul3A_88 = arith.muli %get3A_76, %mul3A_87 : vector<16xi32>
        %add3A_89 = arith.addi %mul3A_85, %mul3A_88 : vector<16xi32>
        %mul3A_90 = arith.constant 83492791 : i32
        %mul3A_91 = vector.broadcast %mul3A_90 : i32 to vector<16xi32>
        %mul3A_92 = arith.muli %get3A_82, %mul3A_91 : vector<16xi32>
        %add3A_93 = arith.addi %add3A_89, %mul3A_92 : vector<16xi32>
        %and3A = arith.constant 1048575 : i32
        %and3A_94 = vector.broadcast %and3A : i32 to vector<16xi32>
        %and3A_95 = arith.andi %add3A_93, %and3A_94 : vector<16xi32>
        %mul3A_96 = arith.constant 16 : i32
        %mul3A_97 = arith.muli %while3A_65, %mul3A_96 : i32
        %swap3A = arith.index_cast %mul3A_97 : i32 to index
        %swap3A_98 = tpu.vector_load %arg23[%swap3A] {strides = array<i32>} : memref<2048xi32, #tpu.memory_space<vmem>>, vector<16xi32>,
        tpu.vector_store %arg23[%swap3A], %and3A_95 {strides = array<i32>} : memref<2048xi32, #tpu.memory_space<vmem>>, vector<16xi32>,
      }
      %while3A_64 = arith.constant 1 : i32
      scf.for %while3A_65 = %while3A_62 to %while3A_58 step %while3A_64  : i32 {
        %mul3A_66 = arith.constant 16 : i32
        %mul3A_67 = arith.muli %while3A_65, %mul3A_66 : i32
        %get3A = arith.constant 0 : i64
        %get3A_68 = arith.index_cast %get3A : i64 to index
        %get3A_69 = arith.index_cast %mul3A_67 : i32 to index
        %get3A_70 = tpu.vector_load %arg22[%get3A_68, %get3A_69] {strides = array<i32>} : memref<3x2048xi32, #tpu.memory_space<vmem>>, vector<16xi32>,
        %mul3A_71 = arith.constant 16 : i32
        %mul3A_72 = arith.muli %while3A_65, %mul3A_71 : i32
        %get3A_73 = arith.constant 1 : i64
        %get3A_74 = arith.index_cast %get3A_73 : i64 to index
        %get3A_75 = arith.index_cast %mul3A_72 : i32 to index
        %get3A_76 = tpu.vector_load %arg22[%get3A_74, %get3A_75] {strides = array<i32>} : memref<3x2048xi32, #tpu.memory_space<vmem>>, vector<16xi32>,
        %mul3A_77 = arith.constant 16 : i32
        %mul3A_78 = arith.muli %while3A_65, %mul3A_77 : i32
        %get3A_79 = arith.constant 2 : i64
        %get3A_80 = arith.index_cast %get3A_79 : i64 to index
        %get3A_81 = arith.index_cast %mul3A_78 : i32 to index
        %get3A_82 = tpu.vector_load %arg22[%get3A_80, %get3A_81] {strides = array<i32>} : memref<3x2048xi32, #tpu.memory_space<vmem>>, vector<16xi32>,
        %mul3A_83 = arith.constant 73856093 : i32
        %mul3A_84 = vector.broadcast %mul3A_83 : i32 to vector<16xi32>
        %mul3A_85 = arith.muli %get3A_70, %mul3A_84 : vector<16xi32>
        %mul3A_86 = arith.constant 19349663 : i32
        %mul3A_87 = vector.broadcast %mul3A_86 : i32 to vector<16xi32>
        %mul3A_88 = arith.muli %get3A_76, %mul3A_87 : vector<16xi32>
        %add3A_89 = arith.addi %mul3A_85, %mul3A_88 : vector<16xi32>
        %mul3A_90 = arith.constant 83492791 : i32
        %mul3A_91 = vector.broadcast %mul3A_90 : i32 to vector<16xi32>
        %mul3A_92 = arith.muli %get3A_82, %mul3A_91 : vector<16xi32>
        %add3A_93 = arith.addi %add3A_89, %mul3A_92 : vector<16xi32>
        %and3A = arith.constant 1048575 : i32
        %and3A_94 = vector.broadcast %and3A : i32 to vector<16xi32>
        %and3A_95 = arith.andi %add3A_93, %and3A_94 : vector<16xi32>
        %mul3A_96 = arith.constant 16 : i32
        %mul3A_97 = arith.muli %while3A_65, %mul3A_96 : i32
        %swap3A = arith.index_cast %mul3A_97 : i32 to index
        %swap3A_98 = tpu.vector_load %arg23[%swap3A] {strides = array<i32>} : memref<2048xi32, #tpu.memory_space<vmem>>, vector<16xi32>,
        tpu.vector_store %arg23[%swap3A], %and3A_95 {strides = array<i32>} : memref<2048xi32, #tpu.memory_space<vmem>>, vector<16xi32>,
      }
      "tpu.region"() ({
        %run_scoped3A = tpu.sem_alloc : memref<!tpu.dma_semaphore, #tpu.memory_space<semaphore_mem>>
        %dma_start3A = tpu.memref_slice %arg21[%multiple_of3A] : memref<524288xi32, #tpu.memory_space<hbm>> -> memref<2048xi32, #tpu.memory_space<hbm>>
        %dma_start3A_65 = tpu.memref_slice %arg21[%multiple_of3A] : memref<524288xi32, #tpu.memory_space<hbm>> -> memref<2048xi32, #tpu.memory_space<hbm>>
        tpu.enqueue_dma source(%arg23 : memref<2048xi32, #tpu.memory_space<vmem>>) target(%dma_start3A_65 : memref<2048xi32, #tpu.memory_space<hbm>>) target_semaphore(%run_scoped3A : memref<!tpu.dma_semaphore, #tpu.memory_space<semaphore_mem>>)
        %dma_wait3A = tpu.memref_slice %arg21[%multiple_of3A] : memref<524288xi32, #tpu.memory_space<hbm>> -> memref<2048xi32, #tpu.memory_space<hbm>>
        %dma_wait3A_66 = tpu.memref_slice %arg21[%multiple_of3A] : memref<524288xi32, #tpu.memory_space<hbm>> -> memref<2048xi32, #tpu.memory_space<hbm>>
        tpu.wait_dma2 semaphore(%run_scoped3A : memref<!tpu.dma_semaphore, #tpu.memory_space<semaphore_mem>>) src(%arg23 : memref<2048xi32, #tpu.memory_space<vmem>>) dst(%dma_wait3A_66 : memref<2048xi32, #tpu.memory_space<hbm>>)
        tpu.yield
      }) : () -> ()
    }
    %broadcast_in_dim3A = arith.constant 0 : i32
    %broadcast_in_dim3A_10 = vector.broadcast %broadcast_in_dim3A : i32 to vector<16xi32>
    %while3A_11 = arith.constant 0 : i32
    %while3A_12 = arith.constant 0 : i32
    %while3A_13 = arith.constant 4096 : i32
    %while3A_14 = arith.subi %while3A_13, %while3A_12 : i32
    %while3A_15 = arith.addi %while3A_12, %while3A_14 : i32
    %while3A_16 = arith.constant 1 : i32
    %while3A_17 = arith.divsi %while3A_14, %while3A_16 : i32
    %while3A_18 = arith.muli %while3A_17, %while3A_16 : i32
    %while3A_19 = arith.addi %while3A_12, %while3A_18 : i32
    %while3A_20 = arith.constant 1 : i32
    scf.for %while3A_48 = %while3A_12 to %while3A_19 step %while3A_20  : i32 {
      %mul3A_49 = arith.constant 16 : i32
      %mul3A_50 = arith.muli %while3A_48, %mul3A_49 : i32
      %swap3A = arith.index_cast %mul3A_50 : i32 to index
      %swap3A_51 = tpu.vector_load %arg24[%swap3A] {strides = array<i32>} : memref<65536xi32, #tpu.memory_space<vmem>>, vector<16xi32>,
      tpu.vector_store %arg24[%swap3A], %broadcast_in_dim3A_10 {strides = array<i32>} : memref<65536xi32, #tpu.memory_space<vmem>>, vector<16xi32>,
    }
    %while3A_21 = arith.constant 1 : i32
    scf.for %while3A_48 = %while3A_19 to %while3A_15 step %while3A_21  : i32 {
      %mul3A_49 = arith.constant 16 : i32
      %mul3A_50 = arith.muli %while3A_48, %mul3A_49 : i32
      %swap3A = arith.index_cast %mul3A_50 : i32 to index
      %swap3A_51 = tpu.vector_load %arg24[%swap3A] {strides = array<i32>} : memref<65536xi32, #tpu.memory_space<vmem>>, vector<16xi32>,
      tpu.vector_store %arg24[%swap3A], %broadcast_in_dim3A_10 {strides = array<i32>} : memref<65536xi32, #tpu.memory_space<vmem>>, vector<16xi32>,
    }
    %barrier3A = arith.constant 0 : index
    tpu.barrier barrier_id(%barrier3A)
    %while3A_22 = arith.constant 0 : i32
    %while3A_23 = arith.constant 0 : i32
    %while3A_24 = arith.constant 32 : i32
    %while3A_25 = arith.subi %while3A_24, %while3A_23 : i32
    %while3A_26 = arith.addi %while3A_23, %while3A_25 : i32
    %while3A_27 = arith.constant 1 : i32
    %while3A_28 = arith.divsi %while3A_25, %while3A_27 : i32
    %while3A_29 = arith.muli %while3A_28, %while3A_27 : i32
    %while3A_30 = arith.addi %while3A_23, %while3A_29 : i32
    %while3A_31 = arith.constant 1 : i32
    scf.for %while3A_48 = %while3A_23 to %while3A_30 step %while3A_31  : i32 {
      %mul3A_49 = arith.constant 16384 : i32
      %mul3A_50 = arith.muli %while3A_48, %mul3A_49 : i32
      "tpu.region"() ({
        %run_scoped3A = tpu.sem_alloc : memref<!tpu.dma_semaphore, #tpu.memory_space<semaphore_mem>>
        %dma_start3A = tpu.memref_slice %arg21[%mul3A_50] : memref<524288xi32, #tpu.memory_space<hbm>> -> memref<16384xi32, #tpu.memory_space<hbm>>
        %dma_start3A_62 = tpu.memref_slice %arg21[%mul3A_50] : memref<524288xi32, #tpu.memory_space<hbm>> -> memref<16384xi32, #tpu.memory_space<hbm>>
        tpu.enqueue_dma source(%dma_start3A_62 : memref<16384xi32, #tpu.memory_space<hbm>>) target(%arg25 : memref<16384xi32, #tpu.memory_space<vmem>>) target_semaphore(%run_scoped3A : memref<!tpu.dma_semaphore, #tpu.memory_space<semaphore_mem>>)
        %dma_wait3A = tpu.memref_slice %arg21[%mul3A_50] : memref<524288xi32, #tpu.memory_space<hbm>> -> memref<16384xi32, #tpu.memory_space<hbm>>
        %dma_wait3A_63 = tpu.memref_slice %arg21[%mul3A_50] : memref<524288xi32, #tpu.memory_space<hbm>> -> memref<16384xi32, #tpu.memory_space<hbm>>
        tpu.wait_dma2 semaphore(%run_scoped3A : memref<!tpu.dma_semaphore, #tpu.memory_space<semaphore_mem>>) src(%dma_wait3A_63 : memref<16384xi32, #tpu.memory_space<hbm>>) dst(%arg25 : memref<16384xi32, #tpu.memory_space<vmem>>)
        tpu.yield
      }) : () -> ()
      %while3A_51 = arith.constant 0 : i32
      %while3A_52 = arith.constant 0 : i32
      %while3A_53 = arith.constant 1024 : i32
      %while3A_54 = arith.subi %while3A_53, %while3A_52 : i32
      %while3A_55 = arith.addi %while3A_52, %while3A_54 : i32
      %while3A_56 = arith.constant 1 : i32
      %while3A_57 = arith.divsi %while3A_54, %while3A_56 : i32
      %while3A_58 = arith.muli %while3A_57, %while3A_56 : i32
      %while3A_59 = arith.addi %while3A_52, %while3A_58 : i32
      %while3A_60 = arith.constant 1 : i32
      scf.for %while3A_62 = %while3A_52 to %while3A_59 step %while3A_60  : i32 {
        %mul3A_63 = arith.constant 16 : i32
        %mul3A_64 = arith.muli %while3A_62, %mul3A_63 : i32
        %get3A = arith.index_cast %mul3A_64 : i32 to index
        %get3A_65 = tpu.vector_load %arg25[%get3A] {strides = array<i32>} : memref<16384xi32, #tpu.memory_space<vmem>>, vector<16xi32>,
        %mul3A_66 = arith.constant 16 : i32
        %mul3A_67 = arith.muli %while3A_62, %mul3A_66 : i32
        %add3A_68 = arith.addi %mul3A_50, %mul3A_67 : i32
        %add3A_69 = vector.broadcast %add3A_68 : i32 to vector<16xi32>
        %add3A_70 = arith.addi %add3A_69, %iota3A : vector<16xi32>
        %shift_right_arithmetic3A = arith.constant 16 : i32
        %shift_right_arithmetic3A_71 = vector.broadcast %shift_right_arithmetic3A : i32 to vector<16xi32>
        %shift_right_arithmetic3A_72 = arith.shrsi %get3A_65, %shift_right_arithmetic3A_71 : vector<16xi32>
        %eq3A = vector.broadcast %arg1 : i32 to vector<16xi32>
        %eq3A_73 = arith.cmpi eq, %shift_right_arithmetic3A_72, %eq3A : vector<16xi32>
        %lt3A = arith.constant 500000 : i32
        %lt3A_74 = vector.broadcast %lt3A : i32 to vector<16xi32>
        %lt3A_75 = arith.cmpi slt, %add3A_70, %lt3A_74 : vector<16xi32>
        %and3A = arith.andi %eq3A_73, %lt3A_75 : vector<16xi1>
        %and3A_76 = arith.constant 65535 : i32
        %and3A_77 = vector.broadcast %and3A_76 : i32 to vector<16xi32>
        %and3A_78 = arith.andi %get3A_65, %and3A_77 : vector<16xi32>
        %add3A_79 = arith.constant 1 : i32
        %add3A_80 = vector.broadcast %add3A_79 : i32 to vector<16xi32>
        %add3A_81 = arith.addi %add3A_70, %add3A_80 : vector<16xi32>
        tpu.vector_store_idx %arg24[%and3A_78], %add3A_81 masked %and3A : memref<65536xi32, #tpu.memory_space<vmem>>[vector<16xi32>], vector<16xi32>, vector<16xi1>
      }
      %while3A_61 = arith.constant 1 : i32
      scf.for %while3A_62 = %while3A_59 to %while3A_55 step %while3A_61  : i32 {
        %mul3A_63 = arith.constant 16 : i32
        %mul3A_64 = arith.muli %while3A_62, %mul3A_63 : i32
        %get3A = arith.index_cast %mul3A_64 : i32 to index
        %get3A_65 = tpu.vector_load %arg25[%get3A] {strides = array<i32>} : memref<16384xi32, #tpu.memory_space<vmem>>, vector<16xi32>,
        %mul3A_66 = arith.constant 16 : i32
        %mul3A_67 = arith.muli %while3A_62, %mul3A_66 : i32
        %add3A_68 = arith.addi %mul3A_50, %mul3A_67 : i32
        %add3A_69 = vector.broadcast %add3A_68 : i32 to vector<16xi32>
        %add3A_70 = arith.addi %add3A_69, %iota3A : vector<16xi32>
        %shift_right_arithmetic3A = arith.constant 16 : i32
        %shift_right_arithmetic3A_71 = vector.broadcast %shift_right_arithmetic3A : i32 to vector<16xi32>
        %shift_right_arithmetic3A_72 = arith.shrsi %get3A_65, %shift_right_arithmetic3A_71 : vector<16xi32>
        %eq3A = vector.broadcast %arg1 : i32 to vector<16xi32>
        %eq3A_73 = arith.cmpi eq, %shift_right_arithmetic3A_72, %eq3A : vector<16xi32>
        %lt3A = arith.constant 500000 : i32
        %lt3A_74 = vector.broadcast %lt3A : i32 to vector<16xi32>
        %lt3A_75 = arith.cmpi slt, %add3A_70, %lt3A_74 : vector<16xi32>
        %and3A = arith.andi %eq3A_73, %lt3A_75 : vector<16xi1>
        %and3A_76 = arith.constant 65535 : i32
        %and3A_77 = vector.broadcast %and3A_76 : i32 to vector<16xi32>
        %and3A_78 = arith.andi %get3A_65, %and3A_77 : vector<16xi32>
        %add3A_79 = arith.constant 1 : i32
        %add3A_80 = vector.broadcast %add3A_79 : i32 to vector<16xi32>
        %add3A_81 = arith.addi %add3A_70, %add3A_80 : vector<16xi32>
        tpu.vector_store_idx %arg24[%and3A_78], %add3A_81 masked %and3A : memref<65536xi32, #tpu.memory_space<vmem>>[vector<16xi32>], vector<16xi32>, vector<16xi1>
      }
    }
    %while3A_32 = arith.constant 1 : i32
    scf.for %while3A_48 = %while3A_30 to %while3A_26 step %while3A_32  : i32 {
      %mul3A_49 = arith.constant 16384 : i32
      %mul3A_50 = arith.muli %while3A_48, %mul3A_49 : i32
      "tpu.region"() ({
        %run_scoped3A = tpu.sem_alloc : memref<!tpu.dma_semaphore, #tpu.memory_space<semaphore_mem>>
        %dma_start3A = tpu.memref_slice %arg21[%mul3A_50] : memref<524288xi32, #tpu.memory_space<hbm>> -> memref<16384xi32, #tpu.memory_space<hbm>>
        %dma_start3A_62 = tpu.memref_slice %arg21[%mul3A_50] : memref<524288xi32, #tpu.memory_space<hbm>> -> memref<16384xi32, #tpu.memory_space<hbm>>
        tpu.enqueue_dma source(%dma_start3A_62 : memref<16384xi32, #tpu.memory_space<hbm>>) target(%arg25 : memref<16384xi32, #tpu.memory_space<vmem>>) target_semaphore(%run_scoped3A : memref<!tpu.dma_semaphore, #tpu.memory_space<semaphore_mem>>)
        %dma_wait3A = tpu.memref_slice %arg21[%mul3A_50] : memref<524288xi32, #tpu.memory_space<hbm>> -> memref<16384xi32, #tpu.memory_space<hbm>>
        %dma_wait3A_63 = tpu.memref_slice %arg21[%mul3A_50] : memref<524288xi32, #tpu.memory_space<hbm>> -> memref<16384xi32, #tpu.memory_space<hbm>>
        tpu.wait_dma2 semaphore(%run_scoped3A : memref<!tpu.dma_semaphore, #tpu.memory_space<semaphore_mem>>) src(%dma_wait3A_63 : memref<16384xi32, #tpu.memory_space<hbm>>) dst(%arg25 : memref<16384xi32, #tpu.memory_space<vmem>>)
        tpu.yield
      }) : () -> ()
      %while3A_51 = arith.constant 0 : i32
      %while3A_52 = arith.constant 0 : i32
      %while3A_53 = arith.constant 1024 : i32
      %while3A_54 = arith.subi %while3A_53, %while3A_52 : i32
      %while3A_55 = arith.addi %while3A_52, %while3A_54 : i32
      %while3A_56 = arith.constant 1 : i32
      %while3A_57 = arith.divsi %while3A_54, %while3A_56 : i32
      %while3A_58 = arith.muli %while3A_57, %while3A_56 : i32
      %while3A_59 = arith.addi %while3A_52, %while3A_58 : i32
      %while3A_60 = arith.constant 1 : i32
      scf.for %while3A_62 = %while3A_52 to %while3A_59 step %while3A_60  : i32 {
        %mul3A_63 = arith.constant 16 : i32
        %mul3A_64 = arith.muli %while3A_62, %mul3A_63 : i32
        %get3A = arith.index_cast %mul3A_64 : i32 to index
        %get3A_65 = tpu.vector_load %arg25[%get3A] {strides = array<i32>} : memref<16384xi32, #tpu.memory_space<vmem>>, vector<16xi32>,
        %mul3A_66 = arith.constant 16 : i32
        %mul3A_67 = arith.muli %while3A_62, %mul3A_66 : i32
        %add3A_68 = arith.addi %mul3A_50, %mul3A_67 : i32
        %add3A_69 = vector.broadcast %add3A_68 : i32 to vector<16xi32>
        %add3A_70 = arith.addi %add3A_69, %iota3A : vector<16xi32>
        %shift_right_arithmetic3A = arith.constant 16 : i32
        %shift_right_arithmetic3A_71 = vector.broadcast %shift_right_arithmetic3A : i32 to vector<16xi32>
        %shift_right_arithmetic3A_72 = arith.shrsi %get3A_65, %shift_right_arithmetic3A_71 : vector<16xi32>
        %eq3A = vector.broadcast %arg1 : i32 to vector<16xi32>
        %eq3A_73 = arith.cmpi eq, %shift_right_arithmetic3A_72, %eq3A : vector<16xi32>
        %lt3A = arith.constant 500000 : i32
        %lt3A_74 = vector.broadcast %lt3A : i32 to vector<16xi32>
        %lt3A_75 = arith.cmpi slt, %add3A_70, %lt3A_74 : vector<16xi32>
        %and3A = arith.andi %eq3A_73, %lt3A_75 : vector<16xi1>
        %and3A_76 = arith.constant 65535 : i32
        %and3A_77 = vector.broadcast %and3A_76 : i32 to vector<16xi32>
        %and3A_78 = arith.andi %get3A_65, %and3A_77 : vector<16xi32>
        %add3A_79 = arith.constant 1 : i32
        %add3A_80 = vector.broadcast %add3A_79 : i32 to vector<16xi32>
        %add3A_81 = arith.addi %add3A_70, %add3A_80 : vector<16xi32>
        tpu.vector_store_idx %arg24[%and3A_78], %add3A_81 masked %and3A : memref<65536xi32, #tpu.memory_space<vmem>>[vector<16xi32>], vector<16xi32>, vector<16xi1>
      }
      %while3A_61 = arith.constant 1 : i32
      scf.for %while3A_62 = %while3A_59 to %while3A_55 step %while3A_61  : i32 {
        %mul3A_63 = arith.constant 16 : i32
        %mul3A_64 = arith.muli %while3A_62, %mul3A_63 : i32
        %get3A = arith.index_cast %mul3A_64 : i32 to index
        %get3A_65 = tpu.vector_load %arg25[%get3A] {strides = array<i32>} : memref<16384xi32, #tpu.memory_space<vmem>>, vector<16xi32>,
        %mul3A_66 = arith.constant 16 : i32
        %mul3A_67 = arith.muli %while3A_62, %mul3A_66 : i32
        %add3A_68 = arith.addi %mul3A_50, %mul3A_67 : i32
        %add3A_69 = vector.broadcast %add3A_68 : i32 to vector<16xi32>
        %add3A_70 = arith.addi %add3A_69, %iota3A : vector<16xi32>
        %shift_right_arithmetic3A = arith.constant 16 : i32
        %shift_right_arithmetic3A_71 = vector.broadcast %shift_right_arithmetic3A : i32 to vector<16xi32>
        %shift_right_arithmetic3A_72 = arith.shrsi %get3A_65, %shift_right_arithmetic3A_71 : vector<16xi32>
        %eq3A = vector.broadcast %arg1 : i32 to vector<16xi32>
        %eq3A_73 = arith.cmpi eq, %shift_right_arithmetic3A_72, %eq3A : vector<16xi32>
        %lt3A = arith.constant 500000 : i32
        %lt3A_74 = vector.broadcast %lt3A : i32 to vector<16xi32>
        %lt3A_75 = arith.cmpi slt, %add3A_70, %lt3A_74 : vector<16xi32>
        %and3A = arith.andi %eq3A_73, %lt3A_75 : vector<16xi1>
        %and3A_76 = arith.constant 65535 : i32
        %and3A_77 = vector.broadcast %and3A_76 : i32 to vector<16xi32>
        %and3A_78 = arith.andi %get3A_65, %and3A_77 : vector<16xi32>
        %add3A_79 = arith.constant 1 : i32
        %add3A_80 = vector.broadcast %add3A_79 : i32 to vector<16xi32>
        %add3A_81 = arith.addi %add3A_70, %add3A_80 : vector<16xi32>
        tpu.vector_store_idx %arg24[%and3A_78], %add3A_81 masked %and3A : memref<65536xi32, #tpu.memory_space<vmem>>[vector<16xi32>], vector<16xi32>, vector<16xi1>
      }
    }
    %mul3A = arith.constant 65536 : i32
    %mul3A_33 = arith.muli %arg1, %mul3A : i32
    "tpu.region"() ({
      %run_scoped3A = tpu.sem_alloc : memref<!tpu.dma_semaphore, #tpu.memory_space<semaphore_mem>>
      %dma_start3A = tpu.memref_slice %arg20[%mul3A_33] : memref<1048576xi32, #tpu.memory_space<hbm>> -> memref<65536xi32, #tpu.memory_space<hbm>>
      %dma_start3A_48 = tpu.memref_slice %arg20[%mul3A_33] : memref<1048576xi32, #tpu.memory_space<hbm>> -> memref<65536xi32, #tpu.memory_space<hbm>>
      tpu.enqueue_dma source(%arg24 : memref<65536xi32, #tpu.memory_space<vmem>>) target(%dma_start3A_48 : memref<65536xi32, #tpu.memory_space<hbm>>) target_semaphore(%run_scoped3A : memref<!tpu.dma_semaphore, #tpu.memory_space<semaphore_mem>>)
      %dma_wait3A = tpu.memref_slice %arg20[%mul3A_33] : memref<1048576xi32, #tpu.memory_space<hbm>> -> memref<65536xi32, #tpu.memory_space<hbm>>
      %dma_wait3A_49 = tpu.memref_slice %arg20[%mul3A_33] : memref<1048576xi32, #tpu.memory_space<hbm>> -> memref<65536xi32, #tpu.memory_space<hbm>>
      tpu.wait_dma2 semaphore(%run_scoped3A : memref<!tpu.dma_semaphore, #tpu.memory_space<semaphore_mem>>) src(%arg24 : memref<65536xi32, #tpu.memory_space<vmem>>) dst(%dma_wait3A_49 : memref<65536xi32, #tpu.memory_space<hbm>>)
      tpu.yield
    }) : () -> ()
    %barrier3A_34 = arith.constant 0 : index
    tpu.barrier barrier_id(%barrier3A_34)
    %mul3A_35 = arith.constant 2 : i32
    %mul3A_36 = arith.muli %arg1, %mul3A_35 : i32
    %add3A = arith.addi %mul3A_36, %arg0 : i32
    %while3A_37 = arith.constant 0 : i32
    %while3A_38 = arith.constant 0 : i32
    %while3A_39 = arith.constant 1 : i32
    %while3A_40 = arith.subi %while3A_39, %while3A_38 : i32
    %while3A_41 = arith.addi %while3A_38, %while3A_40 : i32
    %while3A_42 = arith.constant 1 : i32
    %while3A_43 = arith.divsi %while3A_40, %while3A_42 : i32
    %while3A_44 = arith.muli %while3A_43, %while3A_42 : i32
    %while3A_45 = arith.addi %while3A_38, %while3A_44 : i32
    %while3A_46 = arith.constant 1 : i32
    scf.for %while3A_48 = %while3A_38 to %while3A_45 step %while3A_46  : i32 {
      %mul3A_49 = arith.constant 32 : i32
      %mul3A_50 = arith.muli %mul3A_49, %while3A_48 : i32
      %add3A_51 = arith.addi %add3A, %mul3A_50 : i32
      %lt3A = arith.constant 3907 : i32
      %lt3A_52 = arith.cmpi slt, %add3A_51, %lt3A : i32
      %convert_element_type3A = arith.extui %lt3A_52 : i1 to i32
      %cond3A = arith.constant 0 : i32
      %cond3A_53 = arith.cmpi ne, %convert_element_type3A, %cond3A : i32
      scf.if %cond3A_53 {
        %mul3A_54 = arith.constant 128 : i32
        %mul3A_55 = arith.muli %add3A_51, %mul3A_54 : i32
        %multiple_of3A = tpu.assume_multiple %mul3A_55, 128 : i32
        "tpu.region"() ({
          %run_scoped3A = tpu.sem_alloc : memref<!tpu.dma_semaphore, #tpu.memory_space<semaphore_mem>>
          %dma_start3A_261 = tpu.memref_slice %arg21[%multiple_of3A] : memref<524288xi32, #tpu.memory_space<hbm>> -> memref<128xi32, #tpu.memory_space<hbm>>
          %dma_start3A_262 = tpu.memref_slice %arg21[%multiple_of3A] : memref<524288xi32, #tpu.memory_space<hbm>> -> memref<128xi32, #tpu.memory_space<hbm>>
          tpu.enqueue_dma source(%dma_start3A_262 : memref<128xi32, #tpu.memory_space<hbm>>) target(%arg26 : memref<128xi32, #tpu.memory_space<vmem>>) target_semaphore(%run_scoped3A : memref<!tpu.dma_semaphore, #tpu.memory_space<semaphore_mem>>)
          %dma_wait3A_263 = tpu.memref_slice %arg21[%multiple_of3A] : memref<524288xi32, #tpu.memory_space<hbm>> -> memref<128xi32, #tpu.memory_space<hbm>>
          %dma_wait3A_264 = tpu.memref_slice %arg21[%multiple_of3A] : memref<524288xi32, #tpu.memory_space<hbm>> -> memref<128xi32, #tpu.memory_space<hbm>>
          tpu.wait_dma2 semaphore(%run_scoped3A : memref<!tpu.dma_semaphore, #tpu.memory_space<semaphore_mem>>) src(%dma_wait3A_264 : memref<128xi32, #tpu.memory_space<hbm>>) dst(%arg26 : memref<128xi32, #tpu.memory_space<vmem>>)
          tpu.yield
        }) : () -> ()
        %dma_start3A = arith.constant 0 : i32
        %dma_start3A_56 = tpu.memref_slice %arg20[%dma_start3A] : memref<1048576xi32, #tpu.memory_space<hbm>> -> memref<1048576xi32, #tpu.memory_space<hbm>>
        tpu.enqueue_indirect_dma source(%dma_start3A_56 : memref<1048576xi32, #tpu.memory_space<hbm>>) target(%arg27 : memref<128xi32, #tpu.memory_space<vmem>>) offsets(%arg26 : memref<128xi32, #tpu.memory_space<vmem>>) semaphore(%arg30 : memref<!tpu.dma_semaphore, #tpu.memory_space<semaphore_mem>>)
        %dma_wait3A = arith.constant 0 : i32
        %dma_wait3A_57 = tpu.memref_slice %arg20[%dma_wait3A] : memref<1048576xi32, #tpu.memory_space<hbm>> -> memref<1048576xi32, #tpu.memory_space<hbm>>
        tpu.wait_indirect_dma semaphore(%arg30 : memref<!tpu.dma_semaphore, #tpu.memory_space<semaphore_mem>>) src(%dma_wait3A_57 : memref<1048576xi32, #tpu.memory_space<hbm>>) dst(%arg27 : memref<128xi32, #tpu.memory_space<vmem>>)
        %while3A_58 = arith.constant 0 : i32
        %while3A_59 = arith.constant 0 : i32
        %while3A_60 = arith.constant 8 : i32
        %while3A_61 = arith.subi %while3A_60, %while3A_59 : i32
        %while3A_62 = arith.addi %while3A_59, %while3A_61 : i32
        %while3A_63 = arith.constant 1 : i32
        %while3A_64 = arith.divsi %while3A_61, %while3A_63 : i32
        %while3A_65 = arith.muli %while3A_64, %while3A_63 : i32
        %while3A_66 = arith.addi %while3A_59, %while3A_65 : i32
        %while3A_67 = arith.constant 1 : i32
        scf.for %while3A_261 = %while3A_59 to %while3A_66 step %while3A_67  : i32 {
          %mul3A_262 = arith.constant 16 : i32
          %mul3A_263 = arith.muli %while3A_261, %mul3A_262 : i32
          %get3A = arith.index_cast %mul3A_263 : i32 to index
          %get3A_264 = tpu.vector_load %arg27[%get3A] {strides = array<i32>} : memref<128xi32, #tpu.memory_space<vmem>>, vector<16xi32>,
          %sub3A = arith.constant 1 : i32
          %sub3A_265 = vector.broadcast %sub3A : i32 to vector<16xi32>
          %sub3A_266 = arith.subi %get3A_264, %sub3A_265 : vector<16xi32>
          %max3A = arith.constant 0 : i32
          %max3A_267 = vector.broadcast %max3A : i32 to vector<16xi32>
          %max3A_268 = arith.maxsi %sub3A_266, %max3A_267 : vector<16xi32>
          %mul3A_269 = arith.constant 16 : i32
          %mul3A_270 = arith.muli %while3A_261, %mul3A_269 : i32
          %swap3A = arith.index_cast %mul3A_270 : i32 to index
          %swap3A_271 = tpu.vector_load %arg28[%swap3A] {strides = array<i32>} : memref<128xi32, #tpu.memory_space<vmem>>, vector<16xi32>,
          tpu.vector_store %arg28[%swap3A], %max3A_268 {strides = array<i32>} : memref<128xi32, #tpu.memory_space<vmem>>, vector<16xi32>,
        }
        %while3A_68 = arith.constant 1 : i32
        scf.for %while3A_261 = %while3A_66 to %while3A_62 step %while3A_68  : i32 {
          %mul3A_262 = arith.constant 16 : i32
          %mul3A_263 = arith.muli %while3A_261, %mul3A_262 : i32
          %get3A = arith.index_cast %mul3A_263 : i32 to index
          %get3A_264 = tpu.vector_load %arg27[%get3A] {strides = array<i32>} : memref<128xi32, #tpu.memory_space<vmem>>, vector<16xi32>,
          %sub3A = arith.constant 1 : i32
          %sub3A_265 = vector.broadcast %sub3A : i32 to vector<16xi32>
          %sub3A_266 = arith.subi %get3A_264, %sub3A_265 : vector<16xi32>
          %max3A = arith.constant 0 : i32
          %max3A_267 = vector.broadcast %max3A : i32 to vector<16xi32>
          %max3A_268 = arith.maxsi %sub3A_266, %max3A_267 : vector<16xi32>
          %mul3A_269 = arith.constant 16 : i32
          %mul3A_270 = arith.muli %while3A_261, %mul3A_269 : i32
          %swap3A = arith.index_cast %mul3A_270 : i32 to index
          %swap3A_271 = tpu.vector_load %arg28[%swap3A] {strides = array<i32>} : memref<128xi32, #tpu.memory_space<vmem>>, vector<16xi32>,
          tpu.vector_store %arg28[%swap3A], %max3A_268 {strides = array<i32>} : memref<128xi32, #tpu.memory_space<vmem>>, vector<16xi32>,
        }
        %dma_start3A_69 = arith.constant 0 : i32
        %dma_start3A_70 = arith.constant 0 : i32
        %dma_start3A_71 = tpu.memref_slice %arg29[%dma_start3A_69, %dma_start3A_70] : memref<16x128xf32, #tpu.memory_space<vmem>> -> memref<1x128xf32, #tpu.memory_space<vmem>>
        %dma_start3A_72 = tpu.memref_squeeze %dma_start3A_71 : memref<1x128xf32, #tpu.memory_space<vmem>> -> memref<128xf32, #tpu.memory_space<vmem>>
        %dma_start3A_73 = arith.constant 0 : i32
        %dma_start3A_74 = tpu.memref_slice %arg3[%dma_start3A_73] : memref<500000xf32, #tpu.memory_space<hbm>> -> memref<500000xf32, #tpu.memory_space<hbm>>
        tpu.enqueue_indirect_dma source(%dma_start3A_74 : memref<500000xf32, #tpu.memory_space<hbm>>) target(%dma_start3A_72 : memref<128xf32, #tpu.memory_space<vmem>>) offsets(%arg28 : memref<128xi32, #tpu.memory_space<vmem>>) semaphore(%arg30 : memref<!tpu.dma_semaphore, #tpu.memory_space<semaphore_mem>>)
        %dma_start3A_75 = arith.constant 1 : i32
        %dma_start3A_76 = arith.constant 0 : i32
        %dma_start3A_77 = tpu.memref_slice %arg29[%dma_start3A_75, %dma_start3A_76] : memref<16x128xf32, #tpu.memory_space<vmem>> -> memref<1x128xf32, #tpu.memory_space<vmem>>
        %dma_start3A_78 = tpu.memref_squeeze %dma_start3A_77 : memref<1x128xf32, #tpu.memory_space<vmem>> -> memref<128xf32, #tpu.memory_space<vmem>>
        %dma_start3A_79 = arith.constant 0 : i32
        %dma_start3A_80 = tpu.memref_slice %arg4[%dma_start3A_79] : memref<500000xf32, #tpu.memory_space<hbm>> -> memref<500000xf32, #tpu.memory_space<hbm>>
        tpu.enqueue_indirect_dma source(%dma_start3A_80 : memref<500000xf32, #tpu.memory_space<hbm>>) target(%dma_start3A_78 : memref<128xf32, #tpu.memory_space<vmem>>) offsets(%arg28 : memref<128xi32, #tpu.memory_space<vmem>>) semaphore(%arg30 : memref<!tpu.dma_semaphore, #tpu.memory_space<semaphore_mem>>)
        %dma_start3A_81 = arith.constant 2 : i32
        %dma_start3A_82 = arith.constant 0 : i32
        %dma_start3A_83 = tpu.memref_slice %arg29[%dma_start3A_81, %dma_start3A_82] : memref<16x128xf32, #tpu.memory_space<vmem>> -> memref<1x128xf32, #tpu.memory_space<vmem>>
        %dma_start3A_84 = tpu.memref_squeeze %dma_start3A_83 : memref<1x128xf32, #tpu.memory_space<vmem>> -> memref<128xf32, #tpu.memory_space<vmem>>
        %dma_start3A_85 = arith.constant 0 : i32
        %dma_start3A_86 = tpu.memref_slice %arg5[%dma_start3A_85] : memref<500000xf32, #tpu.memory_space<hbm>> -> memref<500000xf32, #tpu.memory_space<hbm>>
        tpu.enqueue_indirect_dma source(%dma_start3A_86 : memref<500000xf32, #tpu.memory_space<hbm>>) target(%dma_start3A_84 : memref<128xf32, #tpu.memory_space<vmem>>) offsets(%arg28 : memref<128xi32, #tpu.memory_space<vmem>>) semaphore(%arg30 : memref<!tpu.dma_semaphore, #tpu.memory_space<semaphore_mem>>)
        %dma_start3A_87 = arith.constant 3 : i32
        %dma_start3A_88 = arith.constant 0 : i32
        %dma_start3A_89 = tpu.memref_slice %arg29[%dma_start3A_87, %dma_start3A_88] : memref<16x128xf32, #tpu.memory_space<vmem>> -> memref<1x128xf32, #tpu.memory_space<vmem>>
        %dma_start3A_90 = tpu.memref_squeeze %dma_start3A_89 : memref<1x128xf32, #tpu.memory_space<vmem>> -> memref<128xf32, #tpu.memory_space<vmem>>
        %dma_start3A_91 = arith.constant 0 : i32
        %dma_start3A_92 = tpu.memref_slice %arg6[%dma_start3A_91] : memref<500000xf32, #tpu.memory_space<hbm>> -> memref<500000xf32, #tpu.memory_space<hbm>>
        tpu.enqueue_indirect_dma source(%dma_start3A_92 : memref<500000xf32, #tpu.memory_space<hbm>>) target(%dma_start3A_90 : memref<128xf32, #tpu.memory_space<vmem>>) offsets(%arg28 : memref<128xi32, #tpu.memory_space<vmem>>) semaphore(%arg30 : memref<!tpu.dma_semaphore, #tpu.memory_space<semaphore_mem>>)
        %dma_start3A_93 = arith.constant 4 : i32
        %dma_start3A_94 = arith.constant 0 : i32
        %dma_start3A_95 = tpu.memref_slice %arg29[%dma_start3A_93, %dma_start3A_94] : memref<16x128xf32, #tpu.memory_space<vmem>> -> memref<1x128xf32, #tpu.memory_space<vmem>>
        %dma_start3A_96 = tpu.memref_squeeze %dma_start3A_95 : memref<1x128xf32, #tpu.memory_space<vmem>> -> memref<128xf32, #tpu.memory_space<vmem>>
        %dma_start3A_97 = arith.constant 0 : i32
        %dma_start3A_98 = tpu.memref_slice %arg7[%dma_start3A_97] : memref<500000xf32, #tpu.memory_space<hbm>> -> memref<500000xf32, #tpu.memory_space<hbm>>
        tpu.enqueue_indirect_dma source(%dma_start3A_98 : memref<500000xf32, #tpu.memory_space<hbm>>) target(%dma_start3A_96 : memref<128xf32, #tpu.memory_space<vmem>>) offsets(%arg28 : memref<128xi32, #tpu.memory_space<vmem>>) semaphore(%arg30 : memref<!tpu.dma_semaphore, #tpu.memory_space<semaphore_mem>>)
        %dma_start3A_99 = arith.constant 5 : i32
        %dma_start3A_100 = arith.constant 0 : i32
        %dma_start3A_101 = tpu.memref_slice %arg29[%dma_start3A_99, %dma_start3A_100] : memref<16x128xf32, #tpu.memory_space<vmem>> -> memref<1x128xf32, #tpu.memory_space<vmem>>
        %dma_start3A_102 = tpu.memref_squeeze %dma_start3A_101 : memref<1x128xf32, #tpu.memory_space<vmem>> -> memref<128xf32, #tpu.memory_space<vmem>>
        %dma_start3A_103 = arith.constant 0 : i32
        %dma_start3A_104 = tpu.memref_slice %arg8[%dma_start3A_103] : memref<500000xf32, #tpu.memory_space<hbm>> -> memref<500000xf32, #tpu.memory_space<hbm>>
        tpu.enqueue_indirect_dma source(%dma_start3A_104 : memref<500000xf32, #tpu.memory_space<hbm>>) target(%dma_start3A_102 : memref<128xf32, #tpu.memory_space<vmem>>) offsets(%arg28 : memref<128xi32, #tpu.memory_space<vmem>>) semaphore(%arg30 : memref<!tpu.dma_semaphore, #tpu.memory_space<semaphore_mem>>)
        %dma_start3A_105 = arith.constant 6 : i32
        %dma_start3A_106 = arith.constant 0 : i32
        %dma_start3A_107 = tpu.memref_slice %arg29[%dma_start3A_105, %dma_start3A_106] : memref<16x128xf32, #tpu.memory_space<vmem>> -> memref<1x128xf32, #tpu.memory_space<vmem>>
        %dma_start3A_108 = tpu.memref_squeeze %dma_start3A_107 : memref<1x128xf32, #tpu.memory_space<vmem>> -> memref<128xf32, #tpu.memory_space<vmem>>
        %dma_start3A_109 = arith.constant 0 : i32
        %dma_start3A_110 = tpu.memref_slice %arg9[%dma_start3A_109] : memref<500000xf32, #tpu.memory_space<hbm>> -> memref<500000xf32, #tpu.memory_space<hbm>>
        tpu.enqueue_indirect_dma source(%dma_start3A_110 : memref<500000xf32, #tpu.memory_space<hbm>>) target(%dma_start3A_108 : memref<128xf32, #tpu.memory_space<vmem>>) offsets(%arg28 : memref<128xi32, #tpu.memory_space<vmem>>) semaphore(%arg30 : memref<!tpu.dma_semaphore, #tpu.memory_space<semaphore_mem>>)
        %dma_start3A_111 = arith.constant 7 : i32
        %dma_start3A_112 = arith.constant 0 : i32
        %dma_start3A_113 = tpu.memref_slice %arg29[%dma_start3A_111, %dma_start3A_112] : memref<16x128xf32, #tpu.memory_space<vmem>> -> memref<1x128xf32, #tpu.memory_space<vmem>>
        %dma_start3A_114 = tpu.memref_squeeze %dma_start3A_113 : memref<1x128xf32, #tpu.memory_space<vmem>> -> memref<128xf32, #tpu.memory_space<vmem>>
        %dma_start3A_115 = arith.constant 0 : i32
        %dma_start3A_116 = tpu.memref_slice %arg10[%dma_start3A_115] : memref<500000xf32, #tpu.memory_space<hbm>> -> memref<500000xf32, #tpu.memory_space<hbm>>
        tpu.enqueue_indirect_dma source(%dma_start3A_116 : memref<500000xf32, #tpu.memory_space<hbm>>) target(%dma_start3A_114 : memref<128xf32, #tpu.memory_space<vmem>>) offsets(%arg28 : memref<128xi32, #tpu.memory_space<vmem>>) semaphore(%arg30 : memref<!tpu.dma_semaphore, #tpu.memory_space<semaphore_mem>>)
        %dma_start3A_117 = arith.constant 8 : i32
        %dma_start3A_118 = arith.constant 0 : i32
        %dma_start3A_119 = tpu.memref_slice %arg29[%dma_start3A_117, %dma_start3A_118] : memref<16x128xf32, #tpu.memory_space<vmem>> -> memref<1x128xf32, #tpu.memory_space<vmem>>
        %dma_start3A_120 = tpu.memref_squeeze %dma_start3A_119 : memref<1x128xf32, #tpu.memory_space<vmem>> -> memref<128xf32, #tpu.memory_space<vmem>>
        %dma_start3A_121 = arith.constant 0 : i32
        %dma_start3A_122 = tpu.memref_slice %arg11[%dma_start3A_121] : memref<500000xf32, #tpu.memory_space<hbm>> -> memref<500000xf32, #tpu.memory_space<hbm>>
        tpu.enqueue_indirect_dma source(%dma_start3A_122 : memref<500000xf32, #tpu.memory_space<hbm>>) target(%dma_start3A_120 : memref<128xf32, #tpu.memory_space<vmem>>) offsets(%arg28 : memref<128xi32, #tpu.memory_space<vmem>>) semaphore(%arg30 : memref<!tpu.dma_semaphore, #tpu.memory_space<semaphore_mem>>)
        %dma_start3A_123 = arith.constant 9 : i32
        %dma_start3A_124 = arith.constant 0 : i32
        %dma_start3A_125 = tpu.memref_slice %arg29[%dma_start3A_123, %dma_start3A_124] : memref<16x128xf32, #tpu.memory_space<vmem>> -> memref<1x128xf32, #tpu.memory_space<vmem>>
        %dma_start3A_126 = tpu.memref_squeeze %dma_start3A_125 : memref<1x128xf32, #tpu.memory_space<vmem>> -> memref<128xf32, #tpu.memory_space<vmem>>
        %dma_start3A_127 = arith.constant 0 : i32
        %dma_start3A_128 = tpu.memref_slice %arg12[%dma_start3A_127] : memref<500000xf32, #tpu.memory_space<hbm>> -> memref<500000xf32, #tpu.memory_space<hbm>>
        tpu.enqueue_indirect_dma source(%dma_start3A_128 : memref<500000xf32, #tpu.memory_space<hbm>>) target(%dma_start3A_126 : memref<128xf32, #tpu.memory_space<vmem>>) offsets(%arg28 : memref<128xi32, #tpu.memory_space<vmem>>) semaphore(%arg30 : memref<!tpu.dma_semaphore, #tpu.memory_space<semaphore_mem>>)
        %dma_start3A_129 = arith.constant 10 : i32
        %dma_start3A_130 = arith.constant 0 : i32
        %dma_start3A_131 = tpu.memref_slice %arg29[%dma_start3A_129, %dma_start3A_130] : memref<16x128xf32, #tpu.memory_space<vmem>> -> memref<1x128xf32, #tpu.memory_space<vmem>>
        %dma_start3A_132 = tpu.memref_squeeze %dma_start3A_131 : memref<1x128xf32, #tpu.memory_space<vmem>> -> memref<128xf32, #tpu.memory_space<vmem>>
        %dma_start3A_133 = arith.constant 0 : i32
        %dma_start3A_134 = tpu.memref_slice %arg13[%dma_start3A_133] : memref<500000xf32, #tpu.memory_space<hbm>> -> memref<500000xf32, #tpu.memory_space<hbm>>
        tpu.enqueue_indirect_dma source(%dma_start3A_134 : memref<500000xf32, #tpu.memory_space<hbm>>) target(%dma_start3A_132 : memref<128xf32, #tpu.memory_space<vmem>>) offsets(%arg28 : memref<128xi32, #tpu.memory_space<vmem>>) semaphore(%arg30 : memref<!tpu.dma_semaphore, #tpu.memory_space<semaphore_mem>>)
        %dma_start3A_135 = arith.constant 11 : i32
        %dma_start3A_136 = arith.constant 0 : i32
        %dma_start3A_137 = tpu.memref_slice %arg29[%dma_start3A_135, %dma_start3A_136] : memref<16x128xf32, #tpu.memory_space<vmem>> -> memref<1x128xf32, #tpu.memory_space<vmem>>
        %dma_start3A_138 = tpu.memref_squeeze %dma_start3A_137 : memref<1x128xf32, #tpu.memory_space<vmem>> -> memref<128xf32, #tpu.memory_space<vmem>>
        %dma_start3A_139 = arith.constant 0 : i32
        %dma_start3A_140 = tpu.memref_slice %arg14[%dma_start3A_139] : memref<500000xf32, #tpu.memory_space<hbm>> -> memref<500000xf32, #tpu.memory_space<hbm>>
        tpu.enqueue_indirect_dma source(%dma_start3A_140 : memref<500000xf32, #tpu.memory_space<hbm>>) target(%dma_start3A_138 : memref<128xf32, #tpu.memory_space<vmem>>) offsets(%arg28 : memref<128xi32, #tpu.memory_space<vmem>>) semaphore(%arg30 : memref<!tpu.dma_semaphore, #tpu.memory_space<semaphore_mem>>)
        %dma_start3A_141 = arith.constant 12 : i32
        %dma_start3A_142 = arith.constant 0 : i32
        %dma_start3A_143 = tpu.memref_slice %arg29[%dma_start3A_141, %dma_start3A_142] : memref<16x128xf32, #tpu.memory_space<vmem>> -> memref<1x128xf32, #tpu.memory_space<vmem>>
        %dma_start3A_144 = tpu.memref_squeeze %dma_start3A_143 : memref<1x128xf32, #tpu.memory_space<vmem>> -> memref<128xf32, #tpu.memory_space<vmem>>
        %dma_start3A_145 = arith.constant 0 : i32
        %dma_start3A_146 = tpu.memref_slice %arg15[%dma_start3A_145] : memref<500000xf32, #tpu.memory_space<hbm>> -> memref<500000xf32, #tpu.memory_space<hbm>>
        tpu.enqueue_indirect_dma source(%dma_start3A_146 : memref<500000xf32, #tpu.memory_space<hbm>>) target(%dma_start3A_144 : memref<128xf32, #tpu.memory_space<vmem>>) offsets(%arg28 : memref<128xi32, #tpu.memory_space<vmem>>) semaphore(%arg30 : memref<!tpu.dma_semaphore, #tpu.memory_space<semaphore_mem>>)
        %dma_start3A_147 = arith.constant 13 : i32
        %dma_start3A_148 = arith.constant 0 : i32
        %dma_start3A_149 = tpu.memref_slice %arg29[%dma_start3A_147, %dma_start3A_148] : memref<16x128xf32, #tpu.memory_space<vmem>> -> memref<1x128xf32, #tpu.memory_space<vmem>>
        %dma_start3A_150 = tpu.memref_squeeze %dma_start3A_149 : memref<1x128xf32, #tpu.memory_space<vmem>> -> memref<128xf32, #tpu.memory_space<vmem>>
        %dma_start3A_151 = arith.constant 0 : i32
        %dma_start3A_152 = tpu.memref_slice %arg16[%dma_start3A_151] : memref<500000xf32, #tpu.memory_space<hbm>> -> memref<500000xf32, #tpu.memory_space<hbm>>
        tpu.enqueue_indirect_dma source(%dma_start3A_152 : memref<500000xf32, #tpu.memory_space<hbm>>) target(%dma_start3A_150 : memref<128xf32, #tpu.memory_space<vmem>>) offsets(%arg28 : memref<128xi32, #tpu.memory_space<vmem>>) semaphore(%arg30 : memref<!tpu.dma_semaphore, #tpu.memory_space<semaphore_mem>>)
        %dma_start3A_153 = arith.constant 14 : i32
        %dma_start3A_154 = arith.constant 0 : i32
        %dma_start3A_155 = tpu.memref_slice %arg29[%dma_start3A_153, %dma_start3A_154] : memref<16x128xf32, #tpu.memory_space<vmem>> -> memref<1x128xf32, #tpu.memory_space<vmem>>
        %dma_start3A_156 = tpu.memref_squeeze %dma_start3A_155 : memref<1x128xf32, #tpu.memory_space<vmem>> -> memref<128xf32, #tpu.memory_space<vmem>>
        %dma_start3A_157 = arith.constant 0 : i32
        %dma_start3A_158 = tpu.memref_slice %arg17[%dma_start3A_157] : memref<500000xf32, #tpu.memory_space<hbm>> -> memref<500000xf32, #tpu.memory_space<hbm>>
        tpu.enqueue_indirect_dma source(%dma_start3A_158 : memref<500000xf32, #tpu.memory_space<hbm>>) target(%dma_start3A_156 : memref<128xf32, #tpu.memory_space<vmem>>) offsets(%arg28 : memref<128xi32, #tpu.memory_space<vmem>>) semaphore(%arg30 : memref<!tpu.dma_semaphore, #tpu.memory_space<semaphore_mem>>)
        %dma_start3A_159 = arith.constant 15 : i32
        %dma_start3A_160 = arith.constant 0 : i32
        %dma_start3A_161 = tpu.memref_slice %arg29[%dma_start3A_159, %dma_start3A_160] : memref<16x128xf32, #tpu.memory_space<vmem>> -> memref<1x128xf32, #tpu.memory_space<vmem>>
        %dma_start3A_162 = tpu.memref_squeeze %dma_start3A_161 : memref<1x128xf32, #tpu.memory_space<vmem>> -> memref<128xf32, #tpu.memory_space<vmem>>
        %dma_start3A_163 = arith.constant 0 : i32
        %dma_start3A_164 = tpu.memref_slice %arg18[%dma_start3A_163] : memref<500000xf32, #tpu.memory_space<hbm>> -> memref<500000xf32, #tpu.memory_space<hbm>>
        tpu.enqueue_indirect_dma source(%dma_start3A_164 : memref<500000xf32, #tpu.memory_space<hbm>>) target(%dma_start3A_162 : memref<128xf32, #tpu.memory_space<vmem>>) offsets(%arg28 : memref<128xi32, #tpu.memory_space<vmem>>) semaphore(%arg30 : memref<!tpu.dma_semaphore, #tpu.memory_space<semaphore_mem>>)
        %dma_wait3A_165 = arith.constant 0 : i32
        %dma_wait3A_166 = arith.constant 0 : i32
        %dma_wait3A_167 = tpu.memref_slice %arg29[%dma_wait3A_165, %dma_wait3A_166] : memref<16x128xf32, #tpu.memory_space<vmem>> -> memref<1x128xf32, #tpu.memory_space<vmem>>
        %dma_wait3A_168 = tpu.memref_squeeze %dma_wait3A_167 : memref<1x128xf32, #tpu.memory_space<vmem>> -> memref<128xf32, #tpu.memory_space<vmem>>
        %dma_wait3A_169 = arith.constant 0 : i32
        %dma_wait3A_170 = tpu.memref_slice %arg3[%dma_wait3A_169] : memref<500000xf32, #tpu.memory_space<hbm>> -> memref<500000xf32, #tpu.memory_space<hbm>>
        tpu.wait_indirect_dma semaphore(%arg30 : memref<!tpu.dma_semaphore, #tpu.memory_space<semaphore_mem>>) src(%dma_wait3A_170 : memref<500000xf32, #tpu.memory_space<hbm>>) dst(%dma_wait3A_168 : memref<128xf32, #tpu.memory_space<vmem>>)
        %dma_wait3A_171 = arith.constant 1 : i32
        %dma_wait3A_172 = arith.constant 0 : i32
        %dma_wait3A_173 = tpu.memref_slice %arg29[%dma_wait3A_171, %dma_wait3A_172] : memref<16x128xf32, #tpu.memory_space<vmem>> -> memref<1x128xf32, #tpu.memory_space<vmem>>
        %dma_wait3A_174 = tpu.memref_squeeze %dma_wait3A_173 : memref<1x128xf32, #tpu.memory_space<vmem>> -> memref<128xf32, #tpu.memory_space<vmem>>
        %dma_wait3A_175 = arith.constant 0 : i32
        %dma_wait3A_176 = tpu.memref_slice %arg4[%dma_wait3A_175] : memref<500000xf32, #tpu.memory_space<hbm>> -> memref<500000xf32, #tpu.memory_space<hbm>>
        tpu.wait_indirect_dma semaphore(%arg30 : memref<!tpu.dma_semaphore, #tpu.memory_space<semaphore_mem>>) src(%dma_wait3A_176 : memref<500000xf32, #tpu.memory_space<hbm>>) dst(%dma_wait3A_174 : memref<128xf32, #tpu.memory_space<vmem>>)
        %dma_wait3A_177 = arith.constant 2 : i32
        %dma_wait3A_178 = arith.constant 0 : i32
        %dma_wait3A_179 = tpu.memref_slice %arg29[%dma_wait3A_177, %dma_wait3A_178] : memref<16x128xf32, #tpu.memory_space<vmem>> -> memref<1x128xf32, #tpu.memory_space<vmem>>
        %dma_wait3A_180 = tpu.memref_squeeze %dma_wait3A_179 : memref<1x128xf32, #tpu.memory_space<vmem>> -> memref<128xf32, #tpu.memory_space<vmem>>
        %dma_wait3A_181 = arith.constant 0 : i32
        %dma_wait3A_182 = tpu.memref_slice %arg5[%dma_wait3A_181] : memref<500000xf32, #tpu.memory_space<hbm>> -> memref<500000xf32, #tpu.memory_space<hbm>>
        tpu.wait_indirect_dma semaphore(%arg30 : memref<!tpu.dma_semaphore, #tpu.memory_space<semaphore_mem>>) src(%dma_wait3A_182 : memref<500000xf32, #tpu.memory_space<hbm>>) dst(%dma_wait3A_180 : memref<128xf32, #tpu.memory_space<vmem>>)
        %dma_wait3A_183 = arith.constant 3 : i32
        %dma_wait3A_184 = arith.constant 0 : i32
        %dma_wait3A_185 = tpu.memref_slice %arg29[%dma_wait3A_183, %dma_wait3A_184] : memref<16x128xf32, #tpu.memory_space<vmem>> -> memref<1x128xf32, #tpu.memory_space<vmem>>
        %dma_wait3A_186 = tpu.memref_squeeze %dma_wait3A_185 : memref<1x128xf32, #tpu.memory_space<vmem>> -> memref<128xf32, #tpu.memory_space<vmem>>
        %dma_wait3A_187 = arith.constant 0 : i32
        %dma_wait3A_188 = tpu.memref_slice %arg6[%dma_wait3A_187] : memref<500000xf32, #tpu.memory_space<hbm>> -> memref<500000xf32, #tpu.memory_space<hbm>>
        tpu.wait_indirect_dma semaphore(%arg30 : memref<!tpu.dma_semaphore, #tpu.memory_space<semaphore_mem>>) src(%dma_wait3A_188 : memref<500000xf32, #tpu.memory_space<hbm>>) dst(%dma_wait3A_186 : memref<128xf32, #tpu.memory_space<vmem>>)
        %dma_wait3A_189 = arith.constant 4 : i32
        %dma_wait3A_190 = arith.constant 0 : i32
        %dma_wait3A_191 = tpu.memref_slice %arg29[%dma_wait3A_189, %dma_wait3A_190] : memref<16x128xf32, #tpu.memory_space<vmem>> -> memref<1x128xf32, #tpu.memory_space<vmem>>
        %dma_wait3A_192 = tpu.memref_squeeze %dma_wait3A_191 : memref<1x128xf32, #tpu.memory_space<vmem>> -> memref<128xf32, #tpu.memory_space<vmem>>
        %dma_wait3A_193 = arith.constant 0 : i32
        %dma_wait3A_194 = tpu.memref_slice %arg7[%dma_wait3A_193] : memref<500000xf32, #tpu.memory_space<hbm>> -> memref<500000xf32, #tpu.memory_space<hbm>>
        tpu.wait_indirect_dma semaphore(%arg30 : memref<!tpu.dma_semaphore, #tpu.memory_space<semaphore_mem>>) src(%dma_wait3A_194 : memref<500000xf32, #tpu.memory_space<hbm>>) dst(%dma_wait3A_192 : memref<128xf32, #tpu.memory_space<vmem>>)
        %dma_wait3A_195 = arith.constant 5 : i32
        %dma_wait3A_196 = arith.constant 0 : i32
        %dma_wait3A_197 = tpu.memref_slice %arg29[%dma_wait3A_195, %dma_wait3A_196] : memref<16x128xf32, #tpu.memory_space<vmem>> -> memref<1x128xf32, #tpu.memory_space<vmem>>
        %dma_wait3A_198 = tpu.memref_squeeze %dma_wait3A_197 : memref<1x128xf32, #tpu.memory_space<vmem>> -> memref<128xf32, #tpu.memory_space<vmem>>
        %dma_wait3A_199 = arith.constant 0 : i32
        %dma_wait3A_200 = tpu.memref_slice %arg8[%dma_wait3A_199] : memref<500000xf32, #tpu.memory_space<hbm>> -> memref<500000xf32, #tpu.memory_space<hbm>>
        tpu.wait_indirect_dma semaphore(%arg30 : memref<!tpu.dma_semaphore, #tpu.memory_space<semaphore_mem>>) src(%dma_wait3A_200 : memref<500000xf32, #tpu.memory_space<hbm>>) dst(%dma_wait3A_198 : memref<128xf32, #tpu.memory_space<vmem>>)
        %dma_wait3A_201 = arith.constant 6 : i32
        %dma_wait3A_202 = arith.constant 0 : i32
        %dma_wait3A_203 = tpu.memref_slice %arg29[%dma_wait3A_201, %dma_wait3A_202] : memref<16x128xf32, #tpu.memory_space<vmem>> -> memref<1x128xf32, #tpu.memory_space<vmem>>
        %dma_wait3A_204 = tpu.memref_squeeze %dma_wait3A_203 : memref<1x128xf32, #tpu.memory_space<vmem>> -> memref<128xf32, #tpu.memory_space<vmem>>
        %dma_wait3A_205 = arith.constant 0 : i32
        %dma_wait3A_206 = tpu.memref_slice %arg9[%dma_wait3A_205] : memref<500000xf32, #tpu.memory_space<hbm>> -> memref<500000xf32, #tpu.memory_space<hbm>>
        tpu.wait_indirect_dma semaphore(%arg30 : memref<!tpu.dma_semaphore, #tpu.memory_space<semaphore_mem>>) src(%dma_wait3A_206 : memref<500000xf32, #tpu.memory_space<hbm>>) dst(%dma_wait3A_204 : memref<128xf32, #tpu.memory_space<vmem>>)
        %dma_wait3A_207 = arith.constant 7 : i32
        %dma_wait3A_208 = arith.constant 0 : i32
        %dma_wait3A_209 = tpu.memref_slice %arg29[%dma_wait3A_207, %dma_wait3A_208] : memref<16x128xf32, #tpu.memory_space<vmem>> -> memref<1x128xf32, #tpu.memory_space<vmem>>
        %dma_wait3A_210 = tpu.memref_squeeze %dma_wait3A_209 : memref<1x128xf32, #tpu.memory_space<vmem>> -> memref<128xf32, #tpu.memory_space<vmem>>
        %dma_wait3A_211 = arith.constant 0 : i32
        %dma_wait3A_212 = tpu.memref_slice %arg10[%dma_wait3A_211] : memref<500000xf32, #tpu.memory_space<hbm>> -> memref<500000xf32, #tpu.memory_space<hbm>>
        tpu.wait_indirect_dma semaphore(%arg30 : memref<!tpu.dma_semaphore, #tpu.memory_space<semaphore_mem>>) src(%dma_wait3A_212 : memref<500000xf32, #tpu.memory_space<hbm>>) dst(%dma_wait3A_210 : memref<128xf32, #tpu.memory_space<vmem>>)
        %dma_wait3A_213 = arith.constant 8 : i32
        %dma_wait3A_214 = arith.constant 0 : i32
        %dma_wait3A_215 = tpu.memref_slice %arg29[%dma_wait3A_213, %dma_wait3A_214] : memref<16x128xf32, #tpu.memory_space<vmem>> -> memref<1x128xf32, #tpu.memory_space<vmem>>
        %dma_wait3A_216 = tpu.memref_squeeze %dma_wait3A_215 : memref<1x128xf32, #tpu.memory_space<vmem>> -> memref<128xf32, #tpu.memory_space<vmem>>
        %dma_wait3A_217 = arith.constant 0 : i32
        %dma_wait3A_218 = tpu.memref_slice %arg11[%dma_wait3A_217] : memref<500000xf32, #tpu.memory_space<hbm>> -> memref<500000xf32, #tpu.memory_space<hbm>>
        tpu.wait_indirect_dma semaphore(%arg30 : memref<!tpu.dma_semaphore, #tpu.memory_space<semaphore_mem>>) src(%dma_wait3A_218 : memref<500000xf32, #tpu.memory_space<hbm>>) dst(%dma_wait3A_216 : memref<128xf32, #tpu.memory_space<vmem>>)
        %dma_wait3A_219 = arith.constant 9 : i32
        %dma_wait3A_220 = arith.constant 0 : i32
        %dma_wait3A_221 = tpu.memref_slice %arg29[%dma_wait3A_219, %dma_wait3A_220] : memref<16x128xf32, #tpu.memory_space<vmem>> -> memref<1x128xf32, #tpu.memory_space<vmem>>
        %dma_wait3A_222 = tpu.memref_squeeze %dma_wait3A_221 : memref<1x128xf32, #tpu.memory_space<vmem>> -> memref<128xf32, #tpu.memory_space<vmem>>
        %dma_wait3A_223 = arith.constant 0 : i32
        %dma_wait3A_224 = tpu.memref_slice %arg12[%dma_wait3A_223] : memref<500000xf32, #tpu.memory_space<hbm>> -> memref<500000xf32, #tpu.memory_space<hbm>>
        tpu.wait_indirect_dma semaphore(%arg30 : memref<!tpu.dma_semaphore, #tpu.memory_space<semaphore_mem>>) src(%dma_wait3A_224 : memref<500000xf32, #tpu.memory_space<hbm>>) dst(%dma_wait3A_222 : memref<128xf32, #tpu.memory_space<vmem>>)
        %dma_wait3A_225 = arith.constant 10 : i32
        %dma_wait3A_226 = arith.constant 0 : i32
        %dma_wait3A_227 = tpu.memref_slice %arg29[%dma_wait3A_225, %dma_wait3A_226] : memref<16x128xf32, #tpu.memory_space<vmem>> -> memref<1x128xf32, #tpu.memory_space<vmem>>
        %dma_wait3A_228 = tpu.memref_squeeze %dma_wait3A_227 : memref<1x128xf32, #tpu.memory_space<vmem>> -> memref<128xf32, #tpu.memory_space<vmem>>
        %dma_wait3A_229 = arith.constant 0 : i32
        %dma_wait3A_230 = tpu.memref_slice %arg13[%dma_wait3A_229] : memref<500000xf32, #tpu.memory_space<hbm>> -> memref<500000xf32, #tpu.memory_space<hbm>>
        tpu.wait_indirect_dma semaphore(%arg30 : memref<!tpu.dma_semaphore, #tpu.memory_space<semaphore_mem>>) src(%dma_wait3A_230 : memref<500000xf32, #tpu.memory_space<hbm>>) dst(%dma_wait3A_228 : memref<128xf32, #tpu.memory_space<vmem>>)
        %dma_wait3A_231 = arith.constant 11 : i32
        %dma_wait3A_232 = arith.constant 0 : i32
        %dma_wait3A_233 = tpu.memref_slice %arg29[%dma_wait3A_231, %dma_wait3A_232] : memref<16x128xf32, #tpu.memory_space<vmem>> -> memref<1x128xf32, #tpu.memory_space<vmem>>
        %dma_wait3A_234 = tpu.memref_squeeze %dma_wait3A_233 : memref<1x128xf32, #tpu.memory_space<vmem>> -> memref<128xf32, #tpu.memory_space<vmem>>
        %dma_wait3A_235 = arith.constant 0 : i32
        %dma_wait3A_236 = tpu.memref_slice %arg14[%dma_wait3A_235] : memref<500000xf32, #tpu.memory_space<hbm>> -> memref<500000xf32, #tpu.memory_space<hbm>>
        tpu.wait_indirect_dma semaphore(%arg30 : memref<!tpu.dma_semaphore, #tpu.memory_space<semaphore_mem>>) src(%dma_wait3A_236 : memref<500000xf32, #tpu.memory_space<hbm>>) dst(%dma_wait3A_234 : memref<128xf32, #tpu.memory_space<vmem>>)
        %dma_wait3A_237 = arith.constant 12 : i32
        %dma_wait3A_238 = arith.constant 0 : i32
        %dma_wait3A_239 = tpu.memref_slice %arg29[%dma_wait3A_237, %dma_wait3A_238] : memref<16x128xf32, #tpu.memory_space<vmem>> -> memref<1x128xf32, #tpu.memory_space<vmem>>
        %dma_wait3A_240 = tpu.memref_squeeze %dma_wait3A_239 : memref<1x128xf32, #tpu.memory_space<vmem>> -> memref<128xf32, #tpu.memory_space<vmem>>
        %dma_wait3A_241 = arith.constant 0 : i32
        %dma_wait3A_242 = tpu.memref_slice %arg15[%dma_wait3A_241] : memref<500000xf32, #tpu.memory_space<hbm>> -> memref<500000xf32, #tpu.memory_space<hbm>>
        tpu.wait_indirect_dma semaphore(%arg30 : memref<!tpu.dma_semaphore, #tpu.memory_space<semaphore_mem>>) src(%dma_wait3A_242 : memref<500000xf32, #tpu.memory_space<hbm>>) dst(%dma_wait3A_240 : memref<128xf32, #tpu.memory_space<vmem>>)
        %dma_wait3A_243 = arith.constant 13 : i32
        %dma_wait3A_244 = arith.constant 0 : i32
        %dma_wait3A_245 = tpu.memref_slice %arg29[%dma_wait3A_243, %dma_wait3A_244] : memref<16x128xf32, #tpu.memory_space<vmem>> -> memref<1x128xf32, #tpu.memory_space<vmem>>
        %dma_wait3A_246 = tpu.memref_squeeze %dma_wait3A_245 : memref<1x128xf32, #tpu.memory_space<vmem>> -> memref<128xf32, #tpu.memory_space<vmem>>
        %dma_wait3A_247 = arith.constant 0 : i32
        %dma_wait3A_248 = tpu.memref_slice %arg16[%dma_wait3A_247] : memref<500000xf32, #tpu.memory_space<hbm>> -> memref<500000xf32, #tpu.memory_space<hbm>>
        tpu.wait_indirect_dma semaphore(%arg30 : memref<!tpu.dma_semaphore, #tpu.memory_space<semaphore_mem>>) src(%dma_wait3A_248 : memref<500000xf32, #tpu.memory_space<hbm>>) dst(%dma_wait3A_246 : memref<128xf32, #tpu.memory_space<vmem>>)
        %dma_wait3A_249 = arith.constant 14 : i32
        %dma_wait3A_250 = arith.constant 0 : i32
        %dma_wait3A_251 = tpu.memref_slice %arg29[%dma_wait3A_249, %dma_wait3A_250] : memref<16x128xf32, #tpu.memory_space<vmem>> -> memref<1x128xf32, #tpu.memory_space<vmem>>
        %dma_wait3A_252 = tpu.memref_squeeze %dma_wait3A_251 : memref<1x128xf32, #tpu.memory_space<vmem>> -> memref<128xf32, #tpu.memory_space<vmem>>
        %dma_wait3A_253 = arith.constant 0 : i32
        %dma_wait3A_254 = tpu.memref_slice %arg17[%dma_wait3A_253] : memref<500000xf32, #tpu.memory_space<hbm>> -> memref<500000xf32, #tpu.memory_space<hbm>>
        tpu.wait_indirect_dma semaphore(%arg30 : memref<!tpu.dma_semaphore, #tpu.memory_space<semaphore_mem>>) src(%dma_wait3A_254 : memref<500000xf32, #tpu.memory_space<hbm>>) dst(%dma_wait3A_252 : memref<128xf32, #tpu.memory_space<vmem>>)
        %dma_wait3A_255 = arith.constant 15 : i32
        %dma_wait3A_256 = arith.constant 0 : i32
        %dma_wait3A_257 = tpu.memref_slice %arg29[%dma_wait3A_255, %dma_wait3A_256] : memref<16x128xf32, #tpu.memory_space<vmem>> -> memref<1x128xf32, #tpu.memory_space<vmem>>
        %dma_wait3A_258 = tpu.memref_squeeze %dma_wait3A_257 : memref<1x128xf32, #tpu.memory_space<vmem>> -> memref<128xf32, #tpu.memory_space<vmem>>
        %dma_wait3A_259 = arith.constant 0 : i32
        %dma_wait3A_260 = tpu.memref_slice %arg18[%dma_wait3A_259] : memref<500000xf32, #tpu.memory_space<hbm>> -> memref<500000xf32, #tpu.memory_space<hbm>>
        tpu.wait_indirect_dma semaphore(%arg30 : memref<!tpu.dma_semaphore, #tpu.memory_space<semaphore_mem>>) src(%dma_wait3A_260 : memref<500000xf32, #tpu.memory_space<hbm>>) dst(%dma_wait3A_258 : memref<128xf32, #tpu.memory_space<vmem>>)
        "tpu.region"() ({
          %run_scoped3A = tpu.sem_alloc : memref<!tpu.dma_semaphore, #tpu.memory_space<semaphore_mem>>
          %dma_start3A_261 = arith.constant 0 : i32
          %dma_start3A_262 = tpu.memref_slice %arg19[%dma_start3A_261, %multiple_of3A] : memref<16x500096xf32, #tpu.memory_space<hbm>> -> memref<16x128xf32, #tpu.memory_space<hbm>>
          %dma_start3A_263 = arith.constant 0 : i32
          %dma_start3A_264 = tpu.memref_slice %arg19[%dma_start3A_263, %multiple_of3A] : memref<16x500096xf32, #tpu.memory_space<hbm>> -> memref<16x128xf32, #tpu.memory_space<hbm>>
          tpu.enqueue_dma source(%arg29 : memref<16x128xf32, #tpu.memory_space<vmem>>) target(%dma_start3A_264 : memref<16x128xf32, #tpu.memory_space<hbm>>) target_semaphore(%run_scoped3A : memref<!tpu.dma_semaphore, #tpu.memory_space<semaphore_mem>>)
          %dma_wait3A_265 = arith.constant 0 : i32
          %dma_wait3A_266 = tpu.memref_slice %arg19[%dma_wait3A_265, %multiple_of3A] : memref<16x500096xf32, #tpu.memory_space<hbm>> -> memref<16x128xf32, #tpu.memory_space<hbm>>
          %dma_wait3A_267 = arith.constant 0 : i32
          %dma_wait3A_268 = tpu.memref_slice %arg19[%dma_wait3A_267, %multiple_of3A] : memref<16x500096xf32, #tpu.memory_space<hbm>> -> memref<16x128xf32, #tpu.memory_space<hbm>>
          tpu.wait_dma2 semaphore(%run_scoped3A : memref<!tpu.dma_semaphore, #tpu.memory_space<semaphore_mem>>) src(%arg29 : memref<16x128xf32, #tpu.memory_space<vmem>>) dst(%dma_wait3A_268 : memref<16x128xf32, #tpu.memory_space<hbm>>)
          tpu.yield
        }) : () -> ()
      } else {
      }
    }
    %while3A_47 = arith.constant 1 : i32
    scf.for %while3A_48 = %while3A_45 to %while3A_41 step %while3A_47  : i32 {
      %mul3A_49 = arith.constant 32 : i32
      %mul3A_50 = arith.muli %mul3A_49, %while3A_48 : i32
      %add3A_51 = arith.addi %add3A, %mul3A_50 : i32
      %lt3A = arith.constant 3907 : i32
      %lt3A_52 = arith.cmpi slt, %add3A_51, %lt3A : i32
      %convert_element_type3A = arith.extui %lt3A_52 : i1 to i32
      %cond3A = arith.constant 0 : i32
      %cond3A_53 = arith.cmpi ne, %convert_element_type3A, %cond3A : i32
      scf.if %cond3A_53 {
        %mul3A_54 = arith.constant 128 : i32
        %mul3A_55 = arith.muli %add3A_51, %mul3A_54 : i32
        %multiple_of3A = tpu.assume_multiple %mul3A_55, 128 : i32
        "tpu.region"() ({
          %run_scoped3A = tpu.sem_alloc : memref<!tpu.dma_semaphore, #tpu.memory_space<semaphore_mem>>
          %dma_start3A_261 = tpu.memref_slice %arg21[%multiple_of3A] : memref<524288xi32, #tpu.memory_space<hbm>> -> memref<128xi32, #tpu.memory_space<hbm>>
          %dma_start3A_262 = tpu.memref_slice %arg21[%multiple_of3A] : memref<524288xi32, #tpu.memory_space<hbm>> -> memref<128xi32, #tpu.memory_space<hbm>>
          tpu.enqueue_dma source(%dma_start3A_262 : memref<128xi32, #tpu.memory_space<hbm>>) target(%arg26 : memref<128xi32, #tpu.memory_space<vmem>>) target_semaphore(%run_scoped3A : memref<!tpu.dma_semaphore, #tpu.memory_space<semaphore_mem>>)
          %dma_wait3A_263 = tpu.memref_slice %arg21[%multiple_of3A] : memref<524288xi32, #tpu.memory_space<hbm>> -> memref<128xi32, #tpu.memory_space<hbm>>
          %dma_wait3A_264 = tpu.memref_slice %arg21[%multiple_of3A] : memref<524288xi32, #tpu.memory_space<hbm>> -> memref<128xi32, #tpu.memory_space<hbm>>
          tpu.wait_dma2 semaphore(%run_scoped3A : memref<!tpu.dma_semaphore, #tpu.memory_space<semaphore_mem>>) src(%dma_wait3A_264 : memref<128xi32, #tpu.memory_space<hbm>>) dst(%arg26 : memref<128xi32, #tpu.memory_space<vmem>>)
          tpu.yield
        }) : () -> ()
        %dma_start3A = arith.constant 0 : i32
        %dma_start3A_56 = tpu.memref_slice %arg20[%dma_start3A] : memref<1048576xi32, #tpu.memory_space<hbm>> -> memref<1048576xi32, #tpu.memory_space<hbm>>
        tpu.enqueue_indirect_dma source(%dma_start3A_56 : memref<1048576xi32, #tpu.memory_space<hbm>>) target(%arg27 : memref<128xi32, #tpu.memory_space<vmem>>) offsets(%arg26 : memref<128xi32, #tpu.memory_space<vmem>>) semaphore(%arg30 : memref<!tpu.dma_semaphore, #tpu.memory_space<semaphore_mem>>)
        %dma_wait3A = arith.constant 0 : i32
        %dma_wait3A_57 = tpu.memref_slice %arg20[%dma_wait3A] : memref<1048576xi32, #tpu.memory_space<hbm>> -> memref<1048576xi32, #tpu.memory_space<hbm>>
        tpu.wait_indirect_dma semaphore(%arg30 : memref<!tpu.dma_semaphore, #tpu.memory_space<semaphore_mem>>) src(%dma_wait3A_57 : memref<1048576xi32, #tpu.memory_space<hbm>>) dst(%arg27 : memref<128xi32, #tpu.memory_space<vmem>>)
        %while3A_58 = arith.constant 0 : i32
        %while3A_59 = arith.constant 0 : i32
        %while3A_60 = arith.constant 8 : i32
        %while3A_61 = arith.subi %while3A_60, %while3A_59 : i32
        %while3A_62 = arith.addi %while3A_59, %while3A_61 : i32
        %while3A_63 = arith.constant 1 : i32
        %while3A_64 = arith.divsi %while3A_61, %while3A_63 : i32
        %while3A_65 = arith.muli %while3A_64, %while3A_63 : i32
        %while3A_66 = arith.addi %while3A_59, %while3A_65 : i32
        %while3A_67 = arith.constant 1 : i32
        scf.for %while3A_261 = %while3A_59 to %while3A_66 step %while3A_67  : i32 {
          %mul3A_262 = arith.constant 16 : i32
          %mul3A_263 = arith.muli %while3A_261, %mul3A_262 : i32
          %get3A = arith.index_cast %mul3A_263 : i32 to index
          %get3A_264 = tpu.vector_load %arg27[%get3A] {strides = array<i32>} : memref<128xi32, #tpu.memory_space<vmem>>, vector<16xi32>,
          %sub3A = arith.constant 1 : i32
          %sub3A_265 = vector.broadcast %sub3A : i32 to vector<16xi32>
          %sub3A_266 = arith.subi %get3A_264, %sub3A_265 : vector<16xi32>
          %max3A = arith.constant 0 : i32
          %max3A_267 = vector.broadcast %max3A : i32 to vector<16xi32>
          %max3A_268 = arith.maxsi %sub3A_266, %max3A_267 : vector<16xi32>
          %mul3A_269 = arith.constant 16 : i32
          %mul3A_270 = arith.muli %while3A_261, %mul3A_269 : i32
          %swap3A = arith.index_cast %mul3A_270 : i32 to index
          %swap3A_271 = tpu.vector_load %arg28[%swap3A] {strides = array<i32>} : memref<128xi32, #tpu.memory_space<vmem>>, vector<16xi32>,
          tpu.vector_store %arg28[%swap3A], %max3A_268 {strides = array<i32>} : memref<128xi32, #tpu.memory_space<vmem>>, vector<16xi32>,
        }
        %while3A_68 = arith.constant 1 : i32
        scf.for %while3A_261 = %while3A_66 to %while3A_62 step %while3A_68  : i32 {
          %mul3A_262 = arith.constant 16 : i32
          %mul3A_263 = arith.muli %while3A_261, %mul3A_262 : i32
          %get3A = arith.index_cast %mul3A_263 : i32 to index
          %get3A_264 = tpu.vector_load %arg27[%get3A] {strides = array<i32>} : memref<128xi32, #tpu.memory_space<vmem>>, vector<16xi32>,
          %sub3A = arith.constant 1 : i32
          %sub3A_265 = vector.broadcast %sub3A : i32 to vector<16xi32>
          %sub3A_266 = arith.subi %get3A_264, %sub3A_265 : vector<16xi32>
          %max3A = arith.constant 0 : i32
          %max3A_267 = vector.broadcast %max3A : i32 to vector<16xi32>
          %max3A_268 = arith.maxsi %sub3A_266, %max3A_267 : vector<16xi32>
          %mul3A_269 = arith.constant 16 : i32
          %mul3A_270 = arith.muli %while3A_261, %mul3A_269 : i32
          %swap3A = arith.index_cast %mul3A_270 : i32 to index
          %swap3A_271 = tpu.vector_load %arg28[%swap3A] {strides = array<i32>} : memref<128xi32, #tpu.memory_space<vmem>>, vector<16xi32>,
          tpu.vector_store %arg28[%swap3A], %max3A_268 {strides = array<i32>} : memref<128xi32, #tpu.memory_space<vmem>>, vector<16xi32>,
        }
        %dma_start3A_69 = arith.constant 0 : i32
        %dma_start3A_70 = arith.constant 0 : i32
        %dma_start3A_71 = tpu.memref_slice %arg29[%dma_start3A_69, %dma_start3A_70] : memref<16x128xf32, #tpu.memory_space<vmem>> -> memref<1x128xf32, #tpu.memory_space<vmem>>
        %dma_start3A_72 = tpu.memref_squeeze %dma_start3A_71 : memref<1x128xf32, #tpu.memory_space<vmem>> -> memref<128xf32, #tpu.memory_space<vmem>>
        %dma_start3A_73 = arith.constant 0 : i32
        %dma_start3A_74 = tpu.memref_slice %arg3[%dma_start3A_73] : memref<500000xf32, #tpu.memory_space<hbm>> -> memref<500000xf32, #tpu.memory_space<hbm>>
        tpu.enqueue_indirect_dma source(%dma_start3A_74 : memref<500000xf32, #tpu.memory_space<hbm>>) target(%dma_start3A_72 : memref<128xf32, #tpu.memory_space<vmem>>) offsets(%arg28 : memref<128xi32, #tpu.memory_space<vmem>>) semaphore(%arg30 : memref<!tpu.dma_semaphore, #tpu.memory_space<semaphore_mem>>)
        %dma_start3A_75 = arith.constant 1 : i32
        %dma_start3A_76 = arith.constant 0 : i32
        %dma_start3A_77 = tpu.memref_slice %arg29[%dma_start3A_75, %dma_start3A_76] : memref<16x128xf32, #tpu.memory_space<vmem>> -> memref<1x128xf32, #tpu.memory_space<vmem>>
        %dma_start3A_78 = tpu.memref_squeeze %dma_start3A_77 : memref<1x128xf32, #tpu.memory_space<vmem>> -> memref<128xf32, #tpu.memory_space<vmem>>
        %dma_start3A_79 = arith.constant 0 : i32
        %dma_start3A_80 = tpu.memref_slice %arg4[%dma_start3A_79] : memref<500000xf32, #tpu.memory_space<hbm>> -> memref<500000xf32, #tpu.memory_space<hbm>>
        tpu.enqueue_indirect_dma source(%dma_start3A_80 : memref<500000xf32, #tpu.memory_space<hbm>>) target(%dma_start3A_78 : memref<128xf32, #tpu.memory_space<vmem>>) offsets(%arg28 : memref<128xi32, #tpu.memory_space<vmem>>) semaphore(%arg30 : memref<!tpu.dma_semaphore, #tpu.memory_space<semaphore_mem>>)
        %dma_start3A_81 = arith.constant 2 : i32
        %dma_start3A_82 = arith.constant 0 : i32
        %dma_start3A_83 = tpu.memref_slice %arg29[%dma_start3A_81, %dma_start3A_82] : memref<16x128xf32, #tpu.memory_space<vmem>> -> memref<1x128xf32, #tpu.memory_space<vmem>>
        %dma_start3A_84 = tpu.memref_squeeze %dma_start3A_83 : memref<1x128xf32, #tpu.memory_space<vmem>> -> memref<128xf32, #tpu.memory_space<vmem>>
        %dma_start3A_85 = arith.constant 0 : i32
        %dma_start3A_86 = tpu.memref_slice %arg5[%dma_start3A_85] : memref<500000xf32, #tpu.memory_space<hbm>> -> memref<500000xf32, #tpu.memory_space<hbm>>
        tpu.enqueue_indirect_dma source(%dma_start3A_86 : memref<500000xf32, #tpu.memory_space<hbm>>) target(%dma_start3A_84 : memref<128xf32, #tpu.memory_space<vmem>>) offsets(%arg28 : memref<128xi32, #tpu.memory_space<vmem>>) semaphore(%arg30 : memref<!tpu.dma_semaphore, #tpu.memory_space<semaphore_mem>>)
        %dma_start3A_87 = arith.constant 3 : i32
        %dma_start3A_88 = arith.constant 0 : i32
        %dma_start3A_89 = tpu.memref_slice %arg29[%dma_start3A_87, %dma_start3A_88] : memref<16x128xf32, #tpu.memory_space<vmem>> -> memref<1x128xf32, #tpu.memory_space<vmem>>
        %dma_start3A_90 = tpu.memref_squeeze %dma_start3A_89 : memref<1x128xf32, #tpu.memory_space<vmem>> -> memref<128xf32, #tpu.memory_space<vmem>>
        %dma_start3A_91 = arith.constant 0 : i32
        %dma_start3A_92 = tpu.memref_slice %arg6[%dma_start3A_91] : memref<500000xf32, #tpu.memory_space<hbm>> -> memref<500000xf32, #tpu.memory_space<hbm>>
        tpu.enqueue_indirect_dma source(%dma_start3A_92 : memref<500000xf32, #tpu.memory_space<hbm>>) target(%dma_start3A_90 : memref<128xf32, #tpu.memory_space<vmem>>) offsets(%arg28 : memref<128xi32, #tpu.memory_space<vmem>>) semaphore(%arg30 : memref<!tpu.dma_semaphore, #tpu.memory_space<semaphore_mem>>)
        %dma_start3A_93 = arith.constant 4 : i32
        %dma_start3A_94 = arith.constant 0 : i32
        %dma_start3A_95 = tpu.memref_slice %arg29[%dma_start3A_93, %dma_start3A_94] : memref<16x128xf32, #tpu.memory_space<vmem>> -> memref<1x128xf32, #tpu.memory_space<vmem>>
        %dma_start3A_96 = tpu.memref_squeeze %dma_start3A_95 : memref<1x128xf32, #tpu.memory_space<vmem>> -> memref<128xf32, #tpu.memory_space<vmem>>
        %dma_start3A_97 = arith.constant 0 : i32
        %dma_start3A_98 = tpu.memref_slice %arg7[%dma_start3A_97] : memref<500000xf32, #tpu.memory_space<hbm>> -> memref<500000xf32, #tpu.memory_space<hbm>>
        tpu.enqueue_indirect_dma source(%dma_start3A_98 : memref<500000xf32, #tpu.memory_space<hbm>>) target(%dma_start3A_96 : memref<128xf32, #tpu.memory_space<vmem>>) offsets(%arg28 : memref<128xi32, #tpu.memory_space<vmem>>) semaphore(%arg30 : memref<!tpu.dma_semaphore, #tpu.memory_space<semaphore_mem>>)
        %dma_start3A_99 = arith.constant 5 : i32
        %dma_start3A_100 = arith.constant 0 : i32
        %dma_start3A_101 = tpu.memref_slice %arg29[%dma_start3A_99, %dma_start3A_100] : memref<16x128xf32, #tpu.memory_space<vmem>> -> memref<1x128xf32, #tpu.memory_space<vmem>>
        %dma_start3A_102 = tpu.memref_squeeze %dma_start3A_101 : memref<1x128xf32, #tpu.memory_space<vmem>> -> memref<128xf32, #tpu.memory_space<vmem>>
        %dma_start3A_103 = arith.constant 0 : i32
        %dma_start3A_104 = tpu.memref_slice %arg8[%dma_start3A_103] : memref<500000xf32, #tpu.memory_space<hbm>> -> memref<500000xf32, #tpu.memory_space<hbm>>
        tpu.enqueue_indirect_dma source(%dma_start3A_104 : memref<500000xf32, #tpu.memory_space<hbm>>) target(%dma_start3A_102 : memref<128xf32, #tpu.memory_space<vmem>>) offsets(%arg28 : memref<128xi32, #tpu.memory_space<vmem>>) semaphore(%arg30 : memref<!tpu.dma_semaphore, #tpu.memory_space<semaphore_mem>>)
        %dma_start3A_105 = arith.constant 6 : i32
        %dma_start3A_106 = arith.constant 0 : i32
        %dma_start3A_107 = tpu.memref_slice %arg29[%dma_start3A_105, %dma_start3A_106] : memref<16x128xf32, #tpu.memory_space<vmem>> -> memref<1x128xf32, #tpu.memory_space<vmem>>
        %dma_start3A_108 = tpu.memref_squeeze %dma_start3A_107 : memref<1x128xf32, #tpu.memory_space<vmem>> -> memref<128xf32, #tpu.memory_space<vmem>>
        %dma_start3A_109 = arith.constant 0 : i32
        %dma_start3A_110 = tpu.memref_slice %arg9[%dma_start3A_109] : memref<500000xf32, #tpu.memory_space<hbm>> -> memref<500000xf32, #tpu.memory_space<hbm>>
        tpu.enqueue_indirect_dma source(%dma_start3A_110 : memref<500000xf32, #tpu.memory_space<hbm>>) target(%dma_start3A_108 : memref<128xf32, #tpu.memory_space<vmem>>) offsets(%arg28 : memref<128xi32, #tpu.memory_space<vmem>>) semaphore(%arg30 : memref<!tpu.dma_semaphore, #tpu.memory_space<semaphore_mem>>)
        %dma_start3A_111 = arith.constant 7 : i32
        %dma_start3A_112 = arith.constant 0 : i32
        %dma_start3A_113 = tpu.memref_slice %arg29[%dma_start3A_111, %dma_start3A_112] : memref<16x128xf32, #tpu.memory_space<vmem>> -> memref<1x128xf32, #tpu.memory_space<vmem>>
        %dma_start3A_114 = tpu.memref_squeeze %dma_start3A_113 : memref<1x128xf32, #tpu.memory_space<vmem>> -> memref<128xf32, #tpu.memory_space<vmem>>
        %dma_start3A_115 = arith.constant 0 : i32
        %dma_start3A_116 = tpu.memref_slice %arg10[%dma_start3A_115] : memref<500000xf32, #tpu.memory_space<hbm>> -> memref<500000xf32, #tpu.memory_space<hbm>>
        tpu.enqueue_indirect_dma source(%dma_start3A_116 : memref<500000xf32, #tpu.memory_space<hbm>>) target(%dma_start3A_114 : memref<128xf32, #tpu.memory_space<vmem>>) offsets(%arg28 : memref<128xi32, #tpu.memory_space<vmem>>) semaphore(%arg30 : memref<!tpu.dma_semaphore, #tpu.memory_space<semaphore_mem>>)
        %dma_start3A_117 = arith.constant 8 : i32
        %dma_start3A_118 = arith.constant 0 : i32
        %dma_start3A_119 = tpu.memref_slice %arg29[%dma_start3A_117, %dma_start3A_118] : memref<16x128xf32, #tpu.memory_space<vmem>> -> memref<1x128xf32, #tpu.memory_space<vmem>>
        %dma_start3A_120 = tpu.memref_squeeze %dma_start3A_119 : memref<1x128xf32, #tpu.memory_space<vmem>> -> memref<128xf32, #tpu.memory_space<vmem>>
        %dma_start3A_121 = arith.constant 0 : i32
        %dma_start3A_122 = tpu.memref_slice %arg11[%dma_start3A_121] : memref<500000xf32, #tpu.memory_space<hbm>> -> memref<500000xf32, #tpu.memory_space<hbm>>
        tpu.enqueue_indirect_dma source(%dma_start3A_122 : memref<500000xf32, #tpu.memory_space<hbm>>) target(%dma_start3A_120 : memref<128xf32, #tpu.memory_space<vmem>>) offsets(%arg28 : memref<128xi32, #tpu.memory_space<vmem>>) semaphore(%arg30 : memref<!tpu.dma_semaphore, #tpu.memory_space<semaphore_mem>>)
        %dma_start3A_123 = arith.constant 9 : i32
        %dma_start3A_124 = arith.constant 0 : i32
        %dma_start3A_125 = tpu.memref_slice %arg29[%dma_start3A_123, %dma_start3A_124] : memref<16x128xf32, #tpu.memory_space<vmem>> -> memref<1x128xf32, #tpu.memory_space<vmem>>
        %dma_start3A_126 = tpu.memref_squeeze %dma_start3A_125 : memref<1x128xf32, #tpu.memory_space<vmem>> -> memref<128xf32, #tpu.memory_space<vmem>>
        %dma_start3A_127 = arith.constant 0 : i32
        %dma_start3A_128 = tpu.memref_slice %arg12[%dma_start3A_127] : memref<500000xf32, #tpu.memory_space<hbm>> -> memref<500000xf32, #tpu.memory_space<hbm>>
        tpu.enqueue_indirect_dma source(%dma_start3A_128 : memref<500000xf32, #tpu.memory_space<hbm>>) target(%dma_start3A_126 : memref<128xf32, #tpu.memory_space<vmem>>) offsets(%arg28 : memref<128xi32, #tpu.memory_space<vmem>>) semaphore(%arg30 : memref<!tpu.dma_semaphore, #tpu.memory_space<semaphore_mem>>)
        %dma_start3A_129 = arith.constant 10 : i32
        %dma_start3A_130 = arith.constant 0 : i32
        %dma_start3A_131 = tpu.memref_slice %arg29[%dma_start3A_129, %dma_start3A_130] : memref<16x128xf32, #tpu.memory_space<vmem>> -> memref<1x128xf32, #tpu.memory_space<vmem>>
        %dma_start3A_132 = tpu.memref_squeeze %dma_start3A_131 : memref<1x128xf32, #tpu.memory_space<vmem>> -> memref<128xf32, #tpu.memory_space<vmem>>
        %dma_start3A_133 = arith.constant 0 : i32
        %dma_start3A_134 = tpu.memref_slice %arg13[%dma_start3A_133] : memref<500000xf32, #tpu.memory_space<hbm>> -> memref<500000xf32, #tpu.memory_space<hbm>>
        tpu.enqueue_indirect_dma source(%dma_start3A_134 : memref<500000xf32, #tpu.memory_space<hbm>>) target(%dma_start3A_132 : memref<128xf32, #tpu.memory_space<vmem>>) offsets(%arg28 : memref<128xi32, #tpu.memory_space<vmem>>) semaphore(%arg30 : memref<!tpu.dma_semaphore, #tpu.memory_space<semaphore_mem>>)
        %dma_start3A_135 = arith.constant 11 : i32
        %dma_start3A_136 = arith.constant 0 : i32
        %dma_start3A_137 = tpu.memref_slice %arg29[%dma_start3A_135, %dma_start3A_136] : memref<16x128xf32, #tpu.memory_space<vmem>> -> memref<1x128xf32, #tpu.memory_space<vmem>>
        %dma_start3A_138 = tpu.memref_squeeze %dma_start3A_137 : memref<1x128xf32, #tpu.memory_space<vmem>> -> memref<128xf32, #tpu.memory_space<vmem>>
        %dma_start3A_139 = arith.constant 0 : i32
        %dma_start3A_140 = tpu.memref_slice %arg14[%dma_start3A_139] : memref<500000xf32, #tpu.memory_space<hbm>> -> memref<500000xf32, #tpu.memory_space<hbm>>
        tpu.enqueue_indirect_dma source(%dma_start3A_140 : memref<500000xf32, #tpu.memory_space<hbm>>) target(%dma_start3A_138 : memref<128xf32, #tpu.memory_space<vmem>>) offsets(%arg28 : memref<128xi32, #tpu.memory_space<vmem>>) semaphore(%arg30 : memref<!tpu.dma_semaphore, #tpu.memory_space<semaphore_mem>>)
        %dma_start3A_141 = arith.constant 12 : i32
        %dma_start3A_142 = arith.constant 0 : i32
        %dma_start3A_143 = tpu.memref_slice %arg29[%dma_start3A_141, %dma_start3A_142] : memref<16x128xf32, #tpu.memory_space<vmem>> -> memref<1x128xf32, #tpu.memory_space<vmem>>
        %dma_start3A_144 = tpu.memref_squeeze %dma_start3A_143 : memref<1x128xf32, #tpu.memory_space<vmem>> -> memref<128xf32, #tpu.memory_space<vmem>>
        %dma_start3A_145 = arith.constant 0 : i32
        %dma_start3A_146 = tpu.memref_slice %arg15[%dma_start3A_145] : memref<500000xf32, #tpu.memory_space<hbm>> -> memref<500000xf32, #tpu.memory_space<hbm>>
        tpu.enqueue_indirect_dma source(%dma_start3A_146 : memref<500000xf32, #tpu.memory_space<hbm>>) target(%dma_start3A_144 : memref<128xf32, #tpu.memory_space<vmem>>) offsets(%arg28 : memref<128xi32, #tpu.memory_space<vmem>>) semaphore(%arg30 : memref<!tpu.dma_semaphore, #tpu.memory_space<semaphore_mem>>)
        %dma_start3A_147 = arith.constant 13 : i32
        %dma_start3A_148 = arith.constant 0 : i32
        %dma_start3A_149 = tpu.memref_slice %arg29[%dma_start3A_147, %dma_start3A_148] : memref<16x128xf32, #tpu.memory_space<vmem>> -> memref<1x128xf32, #tpu.memory_space<vmem>>
        %dma_start3A_150 = tpu.memref_squeeze %dma_start3A_149 : memref<1x128xf32, #tpu.memory_space<vmem>> -> memref<128xf32, #tpu.memory_space<vmem>>
        %dma_start3A_151 = arith.constant 0 : i32
        %dma_start3A_152 = tpu.memref_slice %arg16[%dma_start3A_151] : memref<500000xf32, #tpu.memory_space<hbm>> -> memref<500000xf32, #tpu.memory_space<hbm>>
        tpu.enqueue_indirect_dma source(%dma_start3A_152 : memref<500000xf32, #tpu.memory_space<hbm>>) target(%dma_start3A_150 : memref<128xf32, #tpu.memory_space<vmem>>) offsets(%arg28 : memref<128xi32, #tpu.memory_space<vmem>>) semaphore(%arg30 : memref<!tpu.dma_semaphore, #tpu.memory_space<semaphore_mem>>)
        %dma_start3A_153 = arith.constant 14 : i32
        %dma_start3A_154 = arith.constant 0 : i32
        %dma_start3A_155 = tpu.memref_slice %arg29[%dma_start3A_153, %dma_start3A_154] : memref<16x128xf32, #tpu.memory_space<vmem>> -> memref<1x128xf32, #tpu.memory_space<vmem>>
        %dma_start3A_156 = tpu.memref_squeeze %dma_start3A_155 : memref<1x128xf32, #tpu.memory_space<vmem>> -> memref<128xf32, #tpu.memory_space<vmem>>
        %dma_start3A_157 = arith.constant 0 : i32
        %dma_start3A_158 = tpu.memref_slice %arg17[%dma_start3A_157] : memref<500000xf32, #tpu.memory_space<hbm>> -> memref<500000xf32, #tpu.memory_space<hbm>>
        tpu.enqueue_indirect_dma source(%dma_start3A_158 : memref<500000xf32, #tpu.memory_space<hbm>>) target(%dma_start3A_156 : memref<128xf32, #tpu.memory_space<vmem>>) offsets(%arg28 : memref<128xi32, #tpu.memory_space<vmem>>) semaphore(%arg30 : memref<!tpu.dma_semaphore, #tpu.memory_space<semaphore_mem>>)
        %dma_start3A_159 = arith.constant 15 : i32
        %dma_start3A_160 = arith.constant 0 : i32
        %dma_start3A_161 = tpu.memref_slice %arg29[%dma_start3A_159, %dma_start3A_160] : memref<16x128xf32, #tpu.memory_space<vmem>> -> memref<1x128xf32, #tpu.memory_space<vmem>>
        %dma_start3A_162 = tpu.memref_squeeze %dma_start3A_161 : memref<1x128xf32, #tpu.memory_space<vmem>> -> memref<128xf32, #tpu.memory_space<vmem>>
        %dma_start3A_163 = arith.constant 0 : i32
        %dma_start3A_164 = tpu.memref_slice %arg18[%dma_start3A_163] : memref<500000xf32, #tpu.memory_space<hbm>> -> memref<500000xf32, #tpu.memory_space<hbm>>
        tpu.enqueue_indirect_dma source(%dma_start3A_164 : memref<500000xf32, #tpu.memory_space<hbm>>) target(%dma_start3A_162 : memref<128xf32, #tpu.memory_space<vmem>>) offsets(%arg28 : memref<128xi32, #tpu.memory_space<vmem>>) semaphore(%arg30 : memref<!tpu.dma_semaphore, #tpu.memory_space<semaphore_mem>>)
        %dma_wait3A_165 = arith.constant 0 : i32
        %dma_wait3A_166 = arith.constant 0 : i32
        %dma_wait3A_167 = tpu.memref_slice %arg29[%dma_wait3A_165, %dma_wait3A_166] : memref<16x128xf32, #tpu.memory_space<vmem>> -> memref<1x128xf32, #tpu.memory_space<vmem>>
        %dma_wait3A_168 = tpu.memref_squeeze %dma_wait3A_167 : memref<1x128xf32, #tpu.memory_space<vmem>> -> memref<128xf32, #tpu.memory_space<vmem>>
        %dma_wait3A_169 = arith.constant 0 : i32
        %dma_wait3A_170 = tpu.memref_slice %arg3[%dma_wait3A_169] : memref<500000xf32, #tpu.memory_space<hbm>> -> memref<500000xf32, #tpu.memory_space<hbm>>
        tpu.wait_indirect_dma semaphore(%arg30 : memref<!tpu.dma_semaphore, #tpu.memory_space<semaphore_mem>>) src(%dma_wait3A_170 : memref<500000xf32, #tpu.memory_space<hbm>>) dst(%dma_wait3A_168 : memref<128xf32, #tpu.memory_space<vmem>>)
        %dma_wait3A_171 = arith.constant 1 : i32
        %dma_wait3A_172 = arith.constant 0 : i32
        %dma_wait3A_173 = tpu.memref_slice %arg29[%dma_wait3A_171, %dma_wait3A_172] : memref<16x128xf32, #tpu.memory_space<vmem>> -> memref<1x128xf32, #tpu.memory_space<vmem>>
        %dma_wait3A_174 = tpu.memref_squeeze %dma_wait3A_173 : memref<1x128xf32, #tpu.memory_space<vmem>> -> memref<128xf32, #tpu.memory_space<vmem>>
        %dma_wait3A_175 = arith.constant 0 : i32
        %dma_wait3A_176 = tpu.memref_slice %arg4[%dma_wait3A_175] : memref<500000xf32, #tpu.memory_space<hbm>> -> memref<500000xf32, #tpu.memory_space<hbm>>
        tpu.wait_indirect_dma semaphore(%arg30 : memref<!tpu.dma_semaphore, #tpu.memory_space<semaphore_mem>>) src(%dma_wait3A_176 : memref<500000xf32, #tpu.memory_space<hbm>>) dst(%dma_wait3A_174 : memref<128xf32, #tpu.memory_space<vmem>>)
        %dma_wait3A_177 = arith.constant 2 : i32
        %dma_wait3A_178 = arith.constant 0 : i32
        %dma_wait3A_179 = tpu.memref_slice %arg29[%dma_wait3A_177, %dma_wait3A_178] : memref<16x128xf32, #tpu.memory_space<vmem>> -> memref<1x128xf32, #tpu.memory_space<vmem>>
        %dma_wait3A_180 = tpu.memref_squeeze %dma_wait3A_179 : memref<1x128xf32, #tpu.memory_space<vmem>> -> memref<128xf32, #tpu.memory_space<vmem>>
        %dma_wait3A_181 = arith.constant 0 : i32
        %dma_wait3A_182 = tpu.memref_slice %arg5[%dma_wait3A_181] : memref<500000xf32, #tpu.memory_space<hbm>> -> memref<500000xf32, #tpu.memory_space<hbm>>
        tpu.wait_indirect_dma semaphore(%arg30 : memref<!tpu.dma_semaphore, #tpu.memory_space<semaphore_mem>>) src(%dma_wait3A_182 : memref<500000xf32, #tpu.memory_space<hbm>>) dst(%dma_wait3A_180 : memref<128xf32, #tpu.memory_space<vmem>>)
        %dma_wait3A_183 = arith.constant 3 : i32
        %dma_wait3A_184 = arith.constant 0 : i32
        %dma_wait3A_185 = tpu.memref_slice %arg29[%dma_wait3A_183, %dma_wait3A_184] : memref<16x128xf32, #tpu.memory_space<vmem>> -> memref<1x128xf32, #tpu.memory_space<vmem>>
        %dma_wait3A_186 = tpu.memref_squeeze %dma_wait3A_185 : memref<1x128xf32, #tpu.memory_space<vmem>> -> memref<128xf32, #tpu.memory_space<vmem>>
        %dma_wait3A_187 = arith.constant 0 : i32
        %dma_wait3A_188 = tpu.memref_slice %arg6[%dma_wait3A_187] : memref<500000xf32, #tpu.memory_space<hbm>> -> memref<500000xf32, #tpu.memory_space<hbm>>
        tpu.wait_indirect_dma semaphore(%arg30 : memref<!tpu.dma_semaphore, #tpu.memory_space<semaphore_mem>>) src(%dma_wait3A_188 : memref<500000xf32, #tpu.memory_space<hbm>>) dst(%dma_wait3A_186 : memref<128xf32, #tpu.memory_space<vmem>>)
        %dma_wait3A_189 = arith.constant 4 : i32
        %dma_wait3A_190 = arith.constant 0 : i32
        %dma_wait3A_191 = tpu.memref_slice %arg29[%dma_wait3A_189, %dma_wait3A_190] : memref<16x128xf32, #tpu.memory_space<vmem>> -> memref<1x128xf32, #tpu.memory_space<vmem>>
        %dma_wait3A_192 = tpu.memref_squeeze %dma_wait3A_191 : memref<1x128xf32, #tpu.memory_space<vmem>> -> memref<128xf32, #tpu.memory_space<vmem>>
        %dma_wait3A_193 = arith.constant 0 : i32
        %dma_wait3A_194 = tpu.memref_slice %arg7[%dma_wait3A_193] : memref<500000xf32, #tpu.memory_space<hbm>> -> memref<500000xf32, #tpu.memory_space<hbm>>
        tpu.wait_indirect_dma semaphore(%arg30 : memref<!tpu.dma_semaphore, #tpu.memory_space<semaphore_mem>>) src(%dma_wait3A_194 : memref<500000xf32, #tpu.memory_space<hbm>>) dst(%dma_wait3A_192 : memref<128xf32, #tpu.memory_space<vmem>>)
        %dma_wait3A_195 = arith.constant 5 : i32
        %dma_wait3A_196 = arith.constant 0 : i32
        %dma_wait3A_197 = tpu.memref_slice %arg29[%dma_wait3A_195, %dma_wait3A_196] : memref<16x128xf32, #tpu.memory_space<vmem>> -> memref<1x128xf32, #tpu.memory_space<vmem>>
        %dma_wait3A_198 = tpu.memref_squeeze %dma_wait3A_197 : memref<1x128xf32, #tpu.memory_space<vmem>> -> memref<128xf32, #tpu.memory_space<vmem>>
        %dma_wait3A_199 = arith.constant 0 : i32
        %dma_wait3A_200 = tpu.memref_slice %arg8[%dma_wait3A_199] : memref<500000xf32, #tpu.memory_space<hbm>> -> memref<500000xf32, #tpu.memory_space<hbm>>
        tpu.wait_indirect_dma semaphore(%arg30 : memref<!tpu.dma_semaphore, #tpu.memory_space<semaphore_mem>>) src(%dma_wait3A_200 : memref<500000xf32, #tpu.memory_space<hbm>>) dst(%dma_wait3A_198 : memref<128xf32, #tpu.memory_space<vmem>>)
        %dma_wait3A_201 = arith.constant 6 : i32
        %dma_wait3A_202 = arith.constant 0 : i32
        %dma_wait3A_203 = tpu.memref_slice %arg29[%dma_wait3A_201, %dma_wait3A_202] : memref<16x128xf32, #tpu.memory_space<vmem>> -> memref<1x128xf32, #tpu.memory_space<vmem>>
        %dma_wait3A_204 = tpu.memref_squeeze %dma_wait3A_203 : memref<1x128xf32, #tpu.memory_space<vmem>> -> memref<128xf32, #tpu.memory_space<vmem>>
        %dma_wait3A_205 = arith.constant 0 : i32
        %dma_wait3A_206 = tpu.memref_slice %arg9[%dma_wait3A_205] : memref<500000xf32, #tpu.memory_space<hbm>> -> memref<500000xf32, #tpu.memory_space<hbm>>
        tpu.wait_indirect_dma semaphore(%arg30 : memref<!tpu.dma_semaphore, #tpu.memory_space<semaphore_mem>>) src(%dma_wait3A_206 : memref<500000xf32, #tpu.memory_space<hbm>>) dst(%dma_wait3A_204 : memref<128xf32, #tpu.memory_space<vmem>>)
        %dma_wait3A_207 = arith.constant 7 : i32
        %dma_wait3A_208 = arith.constant 0 : i32
        %dma_wait3A_209 = tpu.memref_slice %arg29[%dma_wait3A_207, %dma_wait3A_208] : memref<16x128xf32, #tpu.memory_space<vmem>> -> memref<1x128xf32, #tpu.memory_space<vmem>>
        %dma_wait3A_210 = tpu.memref_squeeze %dma_wait3A_209 : memref<1x128xf32, #tpu.memory_space<vmem>> -> memref<128xf32, #tpu.memory_space<vmem>>
        %dma_wait3A_211 = arith.constant 0 : i32
        %dma_wait3A_212 = tpu.memref_slice %arg10[%dma_wait3A_211] : memref<500000xf32, #tpu.memory_space<hbm>> -> memref<500000xf32, #tpu.memory_space<hbm>>
        tpu.wait_indirect_dma semaphore(%arg30 : memref<!tpu.dma_semaphore, #tpu.memory_space<semaphore_mem>>) src(%dma_wait3A_212 : memref<500000xf32, #tpu.memory_space<hbm>>) dst(%dma_wait3A_210 : memref<128xf32, #tpu.memory_space<vmem>>)
        %dma_wait3A_213 = arith.constant 8 : i32
        %dma_wait3A_214 = arith.constant 0 : i32
        %dma_wait3A_215 = tpu.memref_slice %arg29[%dma_wait3A_213, %dma_wait3A_214] : memref<16x128xf32, #tpu.memory_space<vmem>> -> memref<1x128xf32, #tpu.memory_space<vmem>>
        %dma_wait3A_216 = tpu.memref_squeeze %dma_wait3A_215 : memref<1x128xf32, #tpu.memory_space<vmem>> -> memref<128xf32, #tpu.memory_space<vmem>>
        %dma_wait3A_217 = arith.constant 0 : i32
        %dma_wait3A_218 = tpu.memref_slice %arg11[%dma_wait3A_217] : memref<500000xf32, #tpu.memory_space<hbm>> -> memref<500000xf32, #tpu.memory_space<hbm>>
        tpu.wait_indirect_dma semaphore(%arg30 : memref<!tpu.dma_semaphore, #tpu.memory_space<semaphore_mem>>) src(%dma_wait3A_218 : memref<500000xf32, #tpu.memory_space<hbm>>) dst(%dma_wait3A_216 : memref<128xf32, #tpu.memory_space<vmem>>)
        %dma_wait3A_219 = arith.constant 9 : i32
        %dma_wait3A_220 = arith.constant 0 : i32
        %dma_wait3A_221 = tpu.memref_slice %arg29[%dma_wait3A_219, %dma_wait3A_220] : memref<16x128xf32, #tpu.memory_space<vmem>> -> memref<1x128xf32, #tpu.memory_space<vmem>>
        %dma_wait3A_222 = tpu.memref_squeeze %dma_wait3A_221 : memref<1x128xf32, #tpu.memory_space<vmem>> -> memref<128xf32, #tpu.memory_space<vmem>>
        %dma_wait3A_223 = arith.constant 0 : i32
        %dma_wait3A_224 = tpu.memref_slice %arg12[%dma_wait3A_223] : memref<500000xf32, #tpu.memory_space<hbm>> -> memref<500000xf32, #tpu.memory_space<hbm>>
        tpu.wait_indirect_dma semaphore(%arg30 : memref<!tpu.dma_semaphore, #tpu.memory_space<semaphore_mem>>) src(%dma_wait3A_224 : memref<500000xf32, #tpu.memory_space<hbm>>) dst(%dma_wait3A_222 : memref<128xf32, #tpu.memory_space<vmem>>)
        %dma_wait3A_225 = arith.constant 10 : i32
        %dma_wait3A_226 = arith.constant 0 : i32
        %dma_wait3A_227 = tpu.memref_slice %arg29[%dma_wait3A_225, %dma_wait3A_226] : memref<16x128xf32, #tpu.memory_space<vmem>> -> memref<1x128xf32, #tpu.memory_space<vmem>>
        %dma_wait3A_228 = tpu.memref_squeeze %dma_wait3A_227 : memref<1x128xf32, #tpu.memory_space<vmem>> -> memref<128xf32, #tpu.memory_space<vmem>>
        %dma_wait3A_229 = arith.constant 0 : i32
        %dma_wait3A_230 = tpu.memref_slice %arg13[%dma_wait3A_229] : memref<500000xf32, #tpu.memory_space<hbm>> -> memref<500000xf32, #tpu.memory_space<hbm>>
        tpu.wait_indirect_dma semaphore(%arg30 : memref<!tpu.dma_semaphore, #tpu.memory_space<semaphore_mem>>) src(%dma_wait3A_230 : memref<500000xf32, #tpu.memory_space<hbm>>) dst(%dma_wait3A_228 : memref<128xf32, #tpu.memory_space<vmem>>)
        %dma_wait3A_231 = arith.constant 11 : i32
        %dma_wait3A_232 = arith.constant 0 : i32
        %dma_wait3A_233 = tpu.memref_slice %arg29[%dma_wait3A_231, %dma_wait3A_232] : memref<16x128xf32, #tpu.memory_space<vmem>> -> memref<1x128xf32, #tpu.memory_space<vmem>>
        %dma_wait3A_234 = tpu.memref_squeeze %dma_wait3A_233 : memref<1x128xf32, #tpu.memory_space<vmem>> -> memref<128xf32, #tpu.memory_space<vmem>>
        %dma_wait3A_235 = arith.constant 0 : i32
        %dma_wait3A_236 = tpu.memref_slice %arg14[%dma_wait3A_235] : memref<500000xf32, #tpu.memory_space<hbm>> -> memref<500000xf32, #tpu.memory_space<hbm>>
        tpu.wait_indirect_dma semaphore(%arg30 : memref<!tpu.dma_semaphore, #tpu.memory_space<semaphore_mem>>) src(%dma_wait3A_236 : memref<500000xf32, #tpu.memory_space<hbm>>) dst(%dma_wait3A_234 : memref<128xf32, #tpu.memory_space<vmem>>)
        %dma_wait3A_237 = arith.constant 12 : i32
        %dma_wait3A_238 = arith.constant 0 : i32
        %dma_wait3A_239 = tpu.memref_slice %arg29[%dma_wait3A_237, %dma_wait3A_238] : memref<16x128xf32, #tpu.memory_space<vmem>> -> memref<1x128xf32, #tpu.memory_space<vmem>>
        %dma_wait3A_240 = tpu.memref_squeeze %dma_wait3A_239 : memref<1x128xf32, #tpu.memory_space<vmem>> -> memref<128xf32, #tpu.memory_space<vmem>>
        %dma_wait3A_241 = arith.constant 0 : i32
        %dma_wait3A_242 = tpu.memref_slice %arg15[%dma_wait3A_241] : memref<500000xf32, #tpu.memory_space<hbm>> -> memref<500000xf32, #tpu.memory_space<hbm>>
        tpu.wait_indirect_dma semaphore(%arg30 : memref<!tpu.dma_semaphore, #tpu.memory_space<semaphore_mem>>) src(%dma_wait3A_242 : memref<500000xf32, #tpu.memory_space<hbm>>) dst(%dma_wait3A_240 : memref<128xf32, #tpu.memory_space<vmem>>)
        %dma_wait3A_243 = arith.constant 13 : i32
        %dma_wait3A_244 = arith.constant 0 : i32
        %dma_wait3A_245 = tpu.memref_slice %arg29[%dma_wait3A_243, %dma_wait3A_244] : memref<16x128xf32, #tpu.memory_space<vmem>> -> memref<1x128xf32, #tpu.memory_space<vmem>>
        %dma_wait3A_246 = tpu.memref_squeeze %dma_wait3A_245 : memref<1x128xf32, #tpu.memory_space<vmem>> -> memref<128xf32, #tpu.memory_space<vmem>>
        %dma_wait3A_247 = arith.constant 0 : i32
        %dma_wait3A_248 = tpu.memref_slice %arg16[%dma_wait3A_247] : memref<500000xf32, #tpu.memory_space<hbm>> -> memref<500000xf32, #tpu.memory_space<hbm>>
        tpu.wait_indirect_dma semaphore(%arg30 : memref<!tpu.dma_semaphore, #tpu.memory_space<semaphore_mem>>) src(%dma_wait3A_248 : memref<500000xf32, #tpu.memory_space<hbm>>) dst(%dma_wait3A_246 : memref<128xf32, #tpu.memory_space<vmem>>)
        %dma_wait3A_249 = arith.constant 14 : i32
        %dma_wait3A_250 = arith.constant 0 : i32
        %dma_wait3A_251 = tpu.memref_slice %arg29[%dma_wait3A_249, %dma_wait3A_250] : memref<16x128xf32, #tpu.memory_space<vmem>> -> memref<1x128xf32, #tpu.memory_space<vmem>>
        %dma_wait3A_252 = tpu.memref_squeeze %dma_wait3A_251 : memref<1x128xf32, #tpu.memory_space<vmem>> -> memref<128xf32, #tpu.memory_space<vmem>>
        %dma_wait3A_253 = arith.constant 0 : i32
        %dma_wait3A_254 = tpu.memref_slice %arg17[%dma_wait3A_253] : memref<500000xf32, #tpu.memory_space<hbm>> -> memref<500000xf32, #tpu.memory_space<hbm>>
        tpu.wait_indirect_dma semaphore(%arg30 : memref<!tpu.dma_semaphore, #tpu.memory_space<semaphore_mem>>) src(%dma_wait3A_254 : memref<500000xf32, #tpu.memory_space<hbm>>) dst(%dma_wait3A_252 : memref<128xf32, #tpu.memory_space<vmem>>)
        %dma_wait3A_255 = arith.constant 15 : i32
        %dma_wait3A_256 = arith.constant 0 : i32
        %dma_wait3A_257 = tpu.memref_slice %arg29[%dma_wait3A_255, %dma_wait3A_256] : memref<16x128xf32, #tpu.memory_space<vmem>> -> memref<1x128xf32, #tpu.memory_space<vmem>>
        %dma_wait3A_258 = tpu.memref_squeeze %dma_wait3A_257 : memref<1x128xf32, #tpu.memory_space<vmem>> -> memref<128xf32, #tpu.memory_space<vmem>>
        %dma_wait3A_259 = arith.constant 0 : i32
        %dma_wait3A_260 = tpu.memref_slice %arg18[%dma_wait3A_259] : memref<500000xf32, #tpu.memory_space<hbm>> -> memref<500000xf32, #tpu.memory_space<hbm>>
        tpu.wait_indirect_dma semaphore(%arg30 : memref<!tpu.dma_semaphore, #tpu.memory_space<semaphore_mem>>) src(%dma_wait3A_260 : memref<500000xf32, #tpu.memory_space<hbm>>) dst(%dma_wait3A_258 : memref<128xf32, #tpu.memory_space<vmem>>)
        "tpu.region"() ({
          %run_scoped3A = tpu.sem_alloc : memref<!tpu.dma_semaphore, #tpu.memory_space<semaphore_mem>>
          %dma_start3A_261 = arith.constant 0 : i32
          %dma_start3A_262 = tpu.memref_slice %arg19[%dma_start3A_261, %multiple_of3A] : memref<16x500096xf32, #tpu.memory_space<hbm>> -> memref<16x128xf32, #tpu.memory_space<hbm>>
          %dma_start3A_263 = arith.constant 0 : i32
          %dma_start3A_264 = tpu.memref_slice %arg19[%dma_start3A_263, %multiple_of3A] : memref<16x500096xf32, #tpu.memory_space<hbm>> -> memref<16x128xf32, #tpu.memory_space<hbm>>
          tpu.enqueue_dma source(%arg29 : memref<16x128xf32, #tpu.memory_space<vmem>>) target(%dma_start3A_264 : memref<16x128xf32, #tpu.memory_space<hbm>>) target_semaphore(%run_scoped3A : memref<!tpu.dma_semaphore, #tpu.memory_space<semaphore_mem>>)
          %dma_wait3A_265 = arith.constant 0 : i32
          %dma_wait3A_266 = tpu.memref_slice %arg19[%dma_wait3A_265, %multiple_of3A] : memref<16x500096xf32, #tpu.memory_space<hbm>> -> memref<16x128xf32, #tpu.memory_space<hbm>>
          %dma_wait3A_267 = arith.constant 0 : i32
          %dma_wait3A_268 = tpu.memref_slice %arg19[%dma_wait3A_267, %multiple_of3A] : memref<16x500096xf32, #tpu.memory_space<hbm>> -> memref<16x128xf32, #tpu.memory_space<hbm>>
          tpu.wait_dma2 semaphore(%run_scoped3A : memref<!tpu.dma_semaphore, #tpu.memory_space<semaphore_mem>>) src(%arg29 : memref<16x128xf32, #tpu.memory_space<vmem>>) dst(%dma_wait3A_268 : memref<16x128xf32, #tpu.memory_space<hbm>>)
          tpu.yield
        }) : () -> ()
      } else {
      }
    }
    return
  }
}

</mosaic_0001>

<sc_bundles>
// kernel: kernel.3.cloned.1.call-start
scs
__scs_entry_jumppad:
0x0: {  	(pc) =	sbr.rel $0x88, $3  }
0x1: {  	(tag) =	ssettag $0x0;
	lr =	simm.s32 $0x1  }
0x2: {  	[smem:$0x3F9F] =	sst lr;
	_ =	strace $0xD0000000  }
0x3: {  	_ = 	snop  }
0x4: {  	_ = 	snop  }
0x5: {  	_ = 	snop  }
0x6: {  	_ = 	snop  }
0x7: {  	_ = 	snop  }
__scs_overlays_trampoline_lowered:
0x8: {  	[smem:$0x3FAE] =	sst s0  }
0x9: {  	[smem:$0x3FAF] =	sst s1  }
0xa: {  	[smem:$0x3FB0] =	sst s2  }
0xb: {  	[smem:$0x3FB1] =	sst s3  }
0xc: {  	[smem:$0x3FB2] =	sst s4  }
0xd: {  	[smem:$0x3FB3] =	sst s5  }
0xe: {  	[smem:$0x3FB4] =	sst s6  }
0xf: {  	[smem:$0x3FB5] =	sst s7  }
0x10: {  	[smem:$0x3FB6] =	sst s8  }
0x11: {  	[smem:$0x3FB7] =	sst s9;
	s0 =	simm.s32 @!p0 $0x0  }
0x12: {  	s1 =	sld [smem:$0x3F9D];
	s0 =	simm.s32 @p0 $0x1  }
0x13: {  	[smem:$0x3FB8] =	sst s0;
	s0 =	simm.s32 @!p1 $0x0  }
0x14: {  	s2 =	sld [smem:$0x3F9C];
	s0 =	simm.s32 @p1 $0x1  }
0x15: {  	[smem:$0x3FB9] =	sst s0;
	s0 =	simm.s32 @!p2 $0x0  }
0x16: {  	s3 =	sld [smem:$0x3FDB];
	s0 =	simm.s32 @p2 $0x1  }
0x17: {  	s4 =	simm.s32 $0x1BF5;
	[smem:$0x3FBB] =	sst s0  }
0x18: {  	s0 =	sld [smem:$0x3F9E];
	_ =	swait.ge [sflag:s4], $0x0  }
0x19: {  	s7 =	sld [smem:$0x3F9F]  }
0x1a: {  	s8 =	sadd.s32 $0xFFFFE003, lr  }
0x1b: {  	s9 =	sadd.s32 $0xFFFFFEF7, lr;
	s5 =	simm.s32 $0xFFFFFFFF;
	p2 =	slt.u32 s8, $0xFFFFF086  }
0x1c: {  	p1 =	slt.u32 s9, $0xF7A;
	s5 =	simm.s32 @!p2 $0x0  }
0x1d: {  	s5 =	simm.s32 @p1 $0x1;
	p0 =	seq.s32 s7, s2  }
0x1e: {  	s7 =	smul.u32 @!p0 $0xF7A, s2;
	p2 =	seq.s32 @!p0 s5, $0x0  }
0x1f: {  	s9 =	smul.u32 $0xF7A, s1;
	s8 =	simm.s32 @!p0 $0x1BF5;
	p2 =	por !p2, p0  }
0x20: {  	[sflag:s8] =	ssyncset.s32 @!p0 $0xFFFFF086;
	s6 =	sadd.s32 @!p0 s3, s7;
	s7 =	simm.s32 @!p0 $0x108  }
0x21: {  	s3 =	sadd.s32 s3, s9;
	s6 =	sadd.s32 @!p0 $0x88, s6;
	s7 =	simm.s32 @p2 $0x1082  }
0x22: {  	[simem:s7], [sflag:s8] =	dma.local @!p0 [hbm:s6], $0xF7A  }
0x23: {  	s9 =	sor.u32 $0xD0000000, s2;
	s6 =	simm.s32 $0x108;
	_ =	swait.ge @!p0 [sflag:s8], $0x0  }
0x24: {  	s3 =	sadd.s32 $0x88, s3;
	s6 =	simm.s32 @!p1 $0x1082;
	[sflag:s4] =	ssyncset.s32 $0xFFFFF086  }
0x25: {  	[simem:s6], [sflag:s4] =	dma.local [hbm:s3], $0xF7A  }
0x26: {  	[smem:$0x3F9F] =	sst s1;
	(tag) =	ssettag s2;
	_ =	strace s9  }
0x27: {  	s1 =	sld [smem:$0x3FAF]  }
0x28: {  	s2 =	sld [smem:$0x3FB0]  }
0x29: {  	s4 =	sld [smem:$0x3FB2]  }
0x2a: {  	p0 =	seq.s32 s5, $0x0;
	s5 =	sld [smem:$0x3FB3]  }
0x2b: {  	s6 =	sld [smem:$0x3FB4]  }
0x2c: {  	s7 =	sld [smem:$0x3FB5]  }
0x2d: {  	s3 =	simm.s32 $0x108;
	s8 =	sld [smem:$0x3FB6]  }
0x2e: {  	s3 =	simm.s32 @!p0 $0x1082;
	s9 =	sld [smem:$0x3FB7]  }
0x2f: {  	lr =	sadd.s32 s0, s3;
	s0 =	sld [smem:$0x3FAE]  }
0x30: {  	s3 =	sld [smem:$0x3FB1]  }
0x31: {  	[smem:$0x3FBA] =	sst s10  }
0x32: {  	s10 =	sld [smem:$0x3FB8];
	_ =	sdelay $0x3  }
0x33: {  	p0 =	seq.s32 s10, $0x1;
	s10 =	sld [smem:$0x3FBA];
	_ =	sdelay $0x3  }
0x34: {  	[smem:$0x3FBA] =	sst s10  }
0x35: {  	s10 =	sld [smem:$0x3FB9];
	_ =	sdelay $0x3  }
0x36: {  	p1 =	seq.s32 s10, $0x1;
	s10 =	sld [smem:$0x3FBA];
	_ =	sdelay $0x3  }
0x37: {  	[smem:$0x3FBA] =	sst s10  }
0x38: {  	s10 =	sld [smem:$0x3FBB]  }
0x39: {  	_ = 	snop;
	(pc) =	sbr.ind lr, $3  }
0x3a: {  	_ = 	snop  }
0x3b: {  	_ = 	snop  }
0x3c: {  	p2 =	seq.s32 s10, $0x1;
	s10 =	sld [smem:$0x3FBA]  }
0x3d: {  	_ =	shalt  }
0x3e: {  	_ =	shalt  }
0x3f: {  	_ =	shalt  }
0x40: {  	_ =	shalt  }
0x41: {  	_ =	shalt  }
0x42: {  	_ =	shalt  }
0x43: {  	_ =	shalt  }
0x44: {  	_ =	shalt  }
0x45: {  	_ =	shalt  }
0x46: {  	_ =	shalt  }
0x47: {  	_ =	shalt  }
0x48: {  	_ =	shalt  }
0x49: {  	_ =	shalt  }
0x4a: {  	_ =	shalt  }
0x4b: {  	_ =	shalt  }
0x4c: {  	_ =	shalt  }
0x4d: {  	_ =	shalt  }
0x4e: {  	_ =	shalt  }
0x4f: {  	_ =	shalt  }
0x50: {  	_ =	shalt  }
0x51: {  	_ =	shalt  }
0x52: {  	_ =	shalt  }
0x53: {  	_ =	shalt  }
0x54: {  	_ =	shalt  }
0x55: {  	_ =	shalt  }
0x56: {  	_ =	shalt  }
0x57: {  	_ =	shalt  }
0x58: {  	_ =	shalt  }
0x59: {  	_ =	shalt  }
0x5a: {  	_ =	shalt  }
0x5b: {  	_ =	shalt  }
0x5c: {  	_ =	shalt  }
0x5d: {  	_ =	shalt  }
0x5e: {  	_ =	shalt  }
0x5f: {  	_ =	shalt  }
0x60: {  	_ =	shalt  }
0x61: {  	_ =	shalt  }
0x62: {  	_ =	shalt  }
0x63: {  	_ =	shalt  }
0x64: {  	_ =	shalt  }
0x65: {  	_ =	shalt  }
0x66: {  	_ =	shalt  }
0x67: {  	_ =	shalt  }
0x68: {  	_ =	shalt  }
0x69: {  	_ =	shalt  }
0x6a: {  	_ =	shalt  }
0x6b: {  	_ =	shalt  }
0x6c: {  	_ =	shalt  }
0x6d: {  	_ =	shalt  }
0x6e: {  	_ =	shalt  }
0x6f: {  	_ =	shalt  }
0x70: {  	_ =	shalt  }
0x71: {  	_ =	shalt  }
0x72: {  	_ =	shalt  }
0x73: {  	_ =	shalt  }
0x74: {  	_ =	shalt  }
0x75: {  	_ =	shalt  }
0x76: {  	_ =	shalt  }
0x77: {  	_ =	shalt  }
0x78: {  	_ =	shalt  }
0x79: {  	_ =	shalt  }
0x7a: {  	_ =	shalt  }
0x7b: {  	_ =	shalt  }
0x7c: {  	_ =	shalt  }
0x7d: {  	_ =	shalt  }
0x7e: {  	_ =	shalt  }
0x7f: {  	_ =	shalt  }
0x80: {  	_ =	shalt  }
0x81: {  	_ =	shalt  }
0x82: {  	_ =	shalt  }
0x83: {  	_ =	shalt  }
0x84: {  	_ =	shalt  }
0x85: {  	_ =	shalt  }
0x86: {  	_ =	shalt  }
0x87: {  	_ =	shalt  }
.Lfunc_end0:
.L_simem_size_0:
called_computation_lowered:
.L_overlay_start_0:
0x88: {  	s2 =	sld [smem:$0x3FD9]  }
0x89: {  	s3 =	sld [smem:$0x3FFE];
	_ =	sdelay $0x1  }
0x8a: {  	s1 =	srdreg.scid  }
0x8b: {  	s0 =	sand.u32 $0x1, s1  }
0x8c: {  	s17 =	sshll.u32 s0, $0xA;
	s2 =	sadd.s32 s3, s2  }
0x8d: {  	s2 =	sadd.s32 s2, s17  }
0x8e: {  	[smem:$0x3FC6] =	sst s2  }
0x8f: {  	_ = 	snop  }
0x90: {  	s2 =	sld [smem:$0x3FD0];
	(tm) =	ssettm $0x1  }
0x91: {  	s18 =	sld [smem:$0x3FFB];
	_ =	sdelay $0x3  }
0x92: {  	_ =	strace s18  }
0x93: {  	s3 =	sld [smem:$0x3FFC];
	_ =	sdelay $0x3  }
0x94: {  	_ =	strace s3  }
0x95: {  	s3 =	sld [smem:$0x3FFD];
	_ =	sdelay $0x3  }
0x96: {  	_ =	strace s3  }
0x97: {  	_ =	strace $0x8FFFFFFF  }
0x98: {  	s19 =	sld [smem:$0x3FDB];
	_ =	sdelay $0x1  }
0x99: {  	s4 =	simm.s32 $_scs_section_size  }
0x9a: {  	s5 =	simm.s32 $_size__tile_overlayer_lowered;
	s6 =	simm.s32 $_tile_overlayer_lowered  }
0x9b: {  	s22 =	simm.s32 $0x1BFF;
	s21 =	sshll.u32 s6, $0x1;
	s3 =	sadd.s32 s4, s19  }
0x9c: {  	s7 =	simm.s32 $0x0;
	s20 =	sshll.u32 s5, $0x1;
	s5 =	sadd.s32 s21, s3  }
0x9d: {  	[timem:s7], [sflag:s22] =	dma.local [hbm:s5], s20  }
0x9e: {  	_ =	swait.ge [sflag:s22], s20  }
0x9f: {  	s4 =	ssub.s32 $0x0, s20;
	[sflag:s22] =	ssyncset.done $0x0  }
0xa0: {  	[sflag:s22] =	ssyncadd.s32 s4;
	_ =	sdelay $0x1  }
0xa1: {  	s23 =	simm.s32 $0x1B8B  }
0xa2: {  	_ =	swait.ge [sflag:s23], $0x1  }
0xa3: {  	[sflag:s23] =	ssyncset.done $0x0  }
0xa4: {  	s25 =	simm.s32 $0x1B8E;
	s24 =	sld [smem:$0x3FFE];
	[sflag:s23] =	ssyncadd.s32 $0xFFFFFFFF  }
0xa5: {  	s26 =	simm.s32 $execute0_lowered;
	[smem:$0x3FD2] =	sst s25  }
0xa6: {  	s5 =	sshll.u32 s26, $0x1;
	_ =	strace $0x80000046;
	[dreg:$0x1] =	wrdreg $0xFFFFFFFF  }
0xa7: {  	s28 =	simm.s32 $_size_execute0_lowered;
	s3 =	sadd.s32 s3, s5;
	[dreg:$0x0] =	wrdreg $0x0  }
0xa8: {  	s5 =	sshll.u32 s28, $0x1;
	[dreg:$0x2] =	wrdreg s3  }
0xa9: {  	[dreg:$0x3] =	wrdreg s5  }
0xaa: {  	[dreg:$0x4] =	wrdreg $0xC0  }
0xab: {  	_ =	task [dreg:s7], $0x5FFFF  }
0xac: {  	[dreg:$0x1] =	wrdreg $0xFFFFFFFF  }
0xad: {  	[dreg:$0x0] =	wrdreg $0x60  }
0xae: {  	[dreg:$0x2] =	wrdreg s2  }
0xaf: {  	[dreg:$0x3] =	wrdreg s24  }
0xb0: {  	[dreg:$0x4] =	wrdreg $0x9  }
0xb1: {  	_ =	task.clear_ibuf [dreg:s7], $0x5FFFF;
	_ =	strace $0x90000046  }
0xb2: {  	s29 =	simm.s32 $0x9;
	_ =	strace $0x80000048  }
0xb3: {  	_ =	swait.ge [sflag:s29], $0x1  }
0xb4: {  	[sflag:s29] =	ssyncadd.s32 $0xFFFFFFFF  }
0xb5: {  	_ =	strace $0x90000048  }
0xb6: {  	_ =	sfence  }
0xb7: {  	s30 =	sld [smem:$0x0];
	_ =	sdelay $0x2  }
0xb8: {  	s31 =	sshll.u32 s1, $0xD;
	s1 =	sshrl.u32 s1, $0x2  }
0xb9: {  	s3 =	sand.u32 $0x4000, s31;
	s1 =	sadd.s32 s1, s30  }
0xba: {  	s0 =	sor.u32 s3, s0;
	s1 =	sshll.u32 s1, $0x11  }
0xbb: {  	s0 =	sor.u32 s1, s0  }
0xbc: {  	s0 =	sadd.s32 $0x8F2B, s0  }
0xbd: {  	[sflag:s0] =	ssyncadd.remote.s32 $0x1  }
0xbe: {  	_ =	sfence.sel $0xFFFF  }
0xbf: {  	[dreg:$0x0] =	wrdreg $0xFFFFFFFF;
	(pc) =	sbr.abs _section_cstart, $3  }
0xc0: {  	[dreg:$0x1] =	wrdreg $0xFFFFFFFF  }
0xc1: {  	_ =	task.clear_ibuf [dreg:s7], $0x2FFFF;
	_ =	strace $0x9FFFFFFF  }
0xc2: {  	(tm) =	ssettm $0x7FFFFFFF  }
0xc3: {  	_ =	shalt  }
tec
execute0_lowered:
.L_overlay_start_1:
0x0: {  	(tag) =	ssettag $0x1  }
0x1: {  	s1 =	rddreg [dreg:$0x0]  }
0x2: {  	s4 =	rddreg [dreg:$0x1];
	s0 =	simm.s32 $0x0;
	s24 =	srdreg.scid  }
0x3: {  	s5 =	stileid.u32;
	[smem:$0x7FF] =	sst s0;
	s15 =	sadd.s32 $0x1EC00, s4  }
0x4: {  	s16 =	sadd.s32 $0xF600, s4;
	_ =	strace $0x80000047;
	[dreg:$0x3] =	wrdreg s15  }
0x5: {  	s28 =	simm.s32 $0x2;
	s17 =	sadd.s32 $0xE6A00, s4;
	[dreg:$0x4] =	wrdreg s16  }
0x6: {  	s29 =	simm.s32 $0x2000;
	s18 =	sadd.s32 $0xD7400, s4;
	[dreg:$0x5] =	wrdreg s17  }
0x7: {  	s30 =	simm.s32 $0x12800;
	s19 =	sadd.s32 $0xC7E00, s4;
	[dreg:$0x6] =	wrdreg s18  }
0x8: {  	s31 =	simm.s32 $0x2800;
	s20 =	sadd.s32 $0xB8800, s4;
	[dreg:$0x7] =	wrdreg s19  }
0x9: {  	s10 =	simm.s32 $0x80;
	s21 =	sadd.s32 $0xA9200, s4;
	[dreg:$0x8] =	wrdreg s20  }
0xa: {  	s22 =	sadd.s32 $0x99C00, s4;
	s23 =	sadd.s32 $0x8A600, s4;
	[dreg:$0x9] =	wrdreg s21  }
0xb: {  	s14 =	sadd.s32 $0x7B000, s4;
	s0 =	sand.u32 $0x1, s24;
	[dreg:$0xa] =	wrdreg s22  }
0xc: {  	s2 =	sshll.u32 s5, $0x1;
	s26 =	sshll.u32 s5, $0xD;
	[dreg:$0xb] =	wrdreg s23  }
0xd: {  	s15 =	sadd.s32 $0x6BA00, s4;
	s16 =	sadd.s32 $0x5C400, s4;
	s2 =	sor.u32 s0, s2  }
0xe: {  	s17 =	sadd.s32 $0x4CE00, s4;
	s18 =	sadd.s32 $0x3D800, s4;
	s19 =	sadd.s32 $0x2E200, s4  }
0xf: {  	s0 =	ssub.s32 $0x2, s0;
	s20 =	sadd.s32 $0xF6000, s4;
	s21 =	sadd.s32 $0x116000, s4  }
0x10: {  	s3 =	sshll.u32 s2, $0x7;
	s25 =	sshrl.u32 s0, $0x1;
	s2 =	sshll.u32 s2, $0x4  }
0x11: {  	v0 =	vmov s5;
	s22 =	sadd.s32 s20, s26;
	s26 =	sshll.u32 s5, $0xF;
	s5 =	simm.s32 $0x0  }
0x12: {  	s3 =	sadd.s32 s3, s4;
	s0 =	ssub.s32 s0, s25;
	s23 =	sadd.s32 s21, s2  }
0x13: {  	v2 =	vlaneseq.u32;
	s2 =	simm.s32 $0x1;
	s4 =	simm.s32 $0x16980;
	s24 =	sadd.s32 $0x126000, s3  }
0x14: {  	v1 =	vimm.s32 $0x0;
	v2 =	vadd.s32 $0x1, v2;
	s25 =	smax.u32 s0, $0x1;
	s0 =	simm.s32 $0x16800;
	s3 =	simm.s32 $0x16900  }
.LBB2_1:
0x15: {  	s6 =	simm.s32 $0x0  }
.LBB2_2:
0x16: {  	s7 =	sshll.u32 s6, $0xB  }
0x17: {  	s7 =	sadd.s32 s26, s7  }
0x18: {  	s8 =	sshrl.u32 s7, $0x1  }
0x19: {  	s9 =	sadd.s32 s1, s8;
	s8 =	simm.s32 $0x0  }
0x1a: {  	[tilespmem:s8], [sflag:$0x2] =	stream.linear.gather [hbm4b:s9+s8], $0x2000, $0x38;
	[tilespmem:$0x17180] =	vst v63  }
0x1b: {  	s13 =	sand.u32 $0x70, s8;
	_ =	swait.ge [sflag:s28], $0x2000  }
0x1c: {  	s11 =	sand.u32 $0x1E00, s8;
	s9 =	simm.s32 $0x0;
	[sflag:s28] =	ssyncset.done $0x0  }
0x1d: {  	s12 =	sor.u32 s13, s11;
	s11 =	simm.s32 $0x10;
	[sflag:s28] =	ssyncadd.s32 $0xFFFFE000  }
.LBB2_3:
0x1e: {  	p0 =	sne.s32 s11, $0x7F0;
	v3 =	vld [tilespmem:s12+$0x0]  }
0x1f: {  	v4 =	vld [tilespmem:s12+$0x80]  }
0x20: {  	v5 =	vld [tilespmem:s12+$0x100];
	_ =	sdelay $0x3  }
0x21: {  	v3 =	vmul.u32 $0x6F45D, v3;
	v4 =	vmul.u32 $0x7409F, v4  }
.Ltmp0:
0x22: {  	v5 =	vmul.u32 $0x9FFB7, v5;
	(pc) =	sbr.rel @p0 .LBB2_3-.Ltmp0, $4  }
0x23: {  	v3 =	vadd.s32 v3, v4  }
0x24: {  	s8 =	sadd.s32 $0x40, s8;
	v3 =	vadd.s32 v5, v3  }
0x25: {  	s9 =	sshra.s32 s9, $0x2;
	s13 =	sand.u32 $0x1E00, s8;
	s12 =	sand.u32 $0x70, s11;
	v3 =	vand.u32 $0xFFFFF, v3  }
0x26: {  	s11 =	sadd.s32 $0x10, s11;
	s12 =	sor.u32 s12, s13;
	[tilespmem:s9+$0x2000] =	vst v3;
	s9 =	smov.u32 s8  }
0x27: {  	v3 =	vld [tilespmem:s12+$0x0]  }
0x28: {  	v4 =	vld [tilespmem:s12+$0x80]  }
0x29: {  	v5 =	vld [tilespmem:s12+$0x100];
	_ =	sdelay $0x3  }
0x2a: {  	v3 =	vmul.u32 $0x6F45D, v3;
	v4 =	vmul.u32 $0x7409F, v4  }
0x2b: {  	v5 =	vmul.u32 $0x9FFB7, v5  }
0x2c: {  	v3 =	vadd.s32 v3, v4  }
0x2d: {  	s6 =	sadd.s32 $0x1, s6;
	v3 =	vadd.s32 v5, v3  }
0x2e: {  	s8 =	sshra.s32 s9, $0x2;
	s7 =	sshrl.u32 s7, $0x3;
	p0 =	sne.s32 s6, $0x10;
	v3 =	vand.u32 $0xFFFFF, v3  }
.Ltmp1:
0x2f: {  	s13 =	simm.s32 $0x0;
	s7 =	sadd.s32 s21, s7;
	[tilespmem:s8+$0x2000] =	vst v3;
	(pc) =	sbr.rel @p0 .LBB2_2-.Ltmp1, $4  }
0x30: {  	[hbm4b:s7+s13] =	stream.linear.scatter [tilespmem:s29], [sflag:$0x2], $0x800, $0x38;
	[tilespmem:$0x17180] =	vst v63  }
0x31: {  	_ =	swait.ge [sflag:s28], $0x800  }
0x32: {  	[sflag:s28] =	ssyncset.done $0x0  }
0x33: {  	[sflag:s28] =	ssyncadd.s32 $0xFFFFF800  }
0x34: {  	s6 =	simm.s32 $0x40;
	s7 =	simm.s32 $0x0  }
.LBB2_6:
0x35: {  	p0 =	sne.s32 s6, $0x3FFC0;
	[tilespmem:s7+$0x2800] =	vst v1;
	s7 =	smov.u32 s6;
	s6 =	sadd.s32 $0x40, s6  }
.Ltmp2:
0x36: {  	(pc) =	sbr.rel @p0 .LBB2_6-.Ltmp2, $2  }
0x37: {  	_ =	sdelay $0x2  }
0x38: {  	s7 =	sshra.s32 s7, $0x2  }
0x39: {  	[tilespmem:s7+$0x2800] =	vst v1;
	s6 =	simm.s32 $0x0  }
0x3a: {  	s7 =	simm.s32 $0x0;
	s8 =	simm.s32 $0x0;
	[bflag:$0x0] =	sbarrier.arrive $0xFFFF  }
.LBB2_8:
0x3b: {  	s9 =	sshll.u32 s8, $0xB  }
0x3c: {  	s9 =	sadd.s32 s21, s9  }
0x3d: {  	[tilespmem:s30], [sflag:$0x2] =	stream.linear.gather [hbm4b:s9+s6], $0x4000, $0x38;
	[tilespmem:$0x17180] =	vst v63  }
0x3e: {  	_ =	swait.ge [sflag:s28], $0x4000  }
0x3f: {  	[sflag:s28] =	ssyncset.done $0x0  }
0x40: {  	s13 =	simm.s32 $0x0;
	[sflag:s28] =	ssyncadd.s32 $0xFFFFC000  }
0x41: {  	v3 =	vld [tilespmem:s13+$0x12800];
	_ =	sdelay $0x4  }
0x42: {  	v4 =	vmov s7;
	v5 =	vshra.s32 v3, $0x10  }
0x43: {  	vm1 =	vlt.u32 v4, $0x7A120;
	vm0 =	veq.s32 v5, v0  }
0x44: {  	vm0 =	vmand vm1, vm0  }
0x45: {  	v3 =	vand.u32 $0xFFFF, v3;
	_ =	sdelay $0x3  }
0x46: {  	v63 =	vadd.s32 s7, v2  }
0x47: {  	s12 =	simm.s32 $0x10;
	s11 =	simm.s32 $0x80;
	s9 =	smov.u32 s7;
	[tilespmem:v3+s31+$0x0] =	vst.idx.msk vm0, v63  }
.LBB2_9:
0x48: {  	p0 =	sne.s32 s11, $0xFFC0;
	v3 =	vld [tilespmem:s12+$0x12800];
	_ =	sdelay $0x3  }
0x49: {  	s9 =	sadd.s32 $0x10, s9  }
0x4a: {  	v4 =	vmov s9;
	v5 =	vshra.s32 v3, $0x10  }
0x4b: {  	vm1 =	vlt.u32 v4, $0x7A120;
	vm0 =	veq.s32 v5, v0  }
0x4c: {  	vm0 =	vmand vm1, vm0  }
0x4d: {  	v3 =	vand.u32 $0xFFFF, v3  }
.Ltmp3:
0x4e: {  	(pc) =	sbr.rel @p0 .LBB2_9-.Ltmp3, $3  }
0x4f: {  	_ =	sdelay $0x1  }
0x50: {  	v4 =	vadd.s32 s9, v2  }
0x51: {  	s12 =	sshra.s32 s11, $0x2;
	s11 =	sadd.s32 $0x40, s11;
	[tilespmem:v3+s31+$0x0] =	vst.idx.msk vm0, v4  }
0x52: {  	v3 =	vld [tilespmem:s12+$0x12800];
	_ =	sdelay $0x3  }
0x53: {  	s9 =	sadd.s32 $0x10, s9  }
0x54: {  	v4 =	vmov s9;
	v5 =	vshra.s32 v3, $0x10  }
0x55: {  	vm1 =	vlt.u32 v4, $0x7A120;
	vm0 =	veq.s32 v5, v0  }
0x56: {  	s8 =	sadd.s32 $0x1, s8;
	vm0 =	vmand vm1, vm0  }
0x57: {  	p0 =	sne.s32 s8, $0x20;
	v3 =	vand.u32 $0xFFFF, v3  }
.Ltmp4:
0x58: {  	_ = 	snop;
	(pc) =	sbr.rel @p0 .LBB2_8-.Ltmp4, $3  }
0x59: {  	_ =	sdelay $0x1  }
0x5a: {  	v63 =	vadd.s32 s9, v2  }
0x5b: {  	s7 =	sadd.s32 $0x4000, s7;
	[tilespmem:v3+s31+$0x0] =	vst.idx.msk vm0, v63  }
0x5c: {  	s6 =	simm.s32 $0x0  }
0x5d: {  	[hbm4b:s22+s6] =	stream.linear.scatter [tilespmem:s31], [sflag:$0x2], $0x10000, $0x38;
	[tilespmem:$0x17180] =	vst v63  }
0x5e: {  	_ =	swait.ge [sflag:s28], $0x10000  }
0x5f: {  	[sflag:s28] =	ssyncset.done $0x0  }
0x60: {  	[sflag:s28] =	ssyncadd.s32 $0xFFFF0000  }
0x61: {  	[bflag:$0x0] =	sbarrier.arrive $0xFFFF  }
0x62: {  	[tilespmem:s0], [sflag:$0x2] =	stream.linear.gather [hbm4b:s23+s6], $0x80, $0x38;
	[tilespmem:$0x17180] =	vst v63  }
0x63: {  	_ =	swait.ge [sflag:s28], $0x80  }
0x64: {  	[sflag:s28] =	ssyncset.done $0x0  }
0x65: {  	s11 =	simm.s32 $0x16880;
	[sflag:s28] =	ssyncadd.s32 $0xFFFFFF80  }
0x66: {  	[tilespmem:s11], [sflag:$0x1] =	stream.indirect.gather [hbm4b:s20+s10], $0x1, s0, s10, $0xb8;
	[tilespmem:$0x17180] =	vst v63  }
0x67: {  	_ =	swait.ge [sflag:s2], $0x80  }
0x68: {  	[sflag:s2] =	ssyncset.done $0x0  }
0x69: {  	[sflag:s2] =	ssyncadd.s32 $0xFFFFFF80  }
0x6a: {  	v3 =	vld [tilespmem:$0x16880]  }
0x6b: {  	v4 =	vld [tilespmem:$0x16890]  }
0x6c: {  	v5 =	vld [tilespmem:$0x168A0]  }
0x6d: {  	v6 =	vld [tilespmem:$0x168B0]  }
0x6e: {  	v7 =	vld [tilespmem:$0x168C0]  }
0x6f: {  	v8 =	vld [tilespmem:$0x168D0];
	v3 =	vadd.s32 $0xFFFFFFFF, v3  }
0x70: {  	v9 =	vld [tilespmem:$0x168E0];
	v4 =	vadd.s32 $0xFFFFFFFF, v4;
	vm0 =	vgt.s32 v3, $0x0  }
0x71: {  	v10 =	vld [tilespmem:$0x168F0];
	v5 =	vadd.s32 $0xFFFFFFFF, v5;
	vm9 =	vgt.s32 v4, $0x0;
	v3 =	vnsel vm0, $0x0, v3  }
0x72: {  	v59 =	vadd.s32 $0xFFFFFFFF, v6;
	vm10 =	vgt.s32 v5, $0x0;
	[tilespmem:$0x16900] =	vst v3;
	v3 =	vnsel vm9, $0x0, v4  }
0x73: {  	v60 =	vadd.s32 $0xFFFFFFFF, v7;
	vm11 =	vgt.s32 v59, $0x0;
	[tilespmem:$0x16910] =	vst v3;
	v3 =	vnsel vm10, $0x0, v5  }
0x74: {  	v61 =	vadd.s32 $0xFFFFFFFF, v8;
	vm12 =	vgt.s32 v60, $0x0;
	[tilespmem:$0x16920] =	vst v3;
	v3 =	vnsel vm11, $0x0, v59  }
0x75: {  	v62 =	vadd.s32 $0xFFFFFFFF, v9;
	vm13 =	vgt.s32 v61, $0x0;
	[tilespmem:$0x16930] =	vst v3;
	v3 =	vnsel vm12, $0x0, v60  }
0x76: {  	v63 =	vadd.s32 $0xFFFFFFFF, v10;
	vm14 =	vgt.s32 v62, $0x0;
	[tilespmem:$0x16940] =	vst v3;
	v3 =	vnsel vm13, $0x0, v61  }
0x77: {  	vm15 =	vgt.s32 v63, $0x0;
	[tilespmem:$0x16950] =	vst v3;
	v3 =	vnsel vm14, $0x0, v62  }
0x78: {  	[tilespmem:$0x16960] =	vst v3;
	v3 =	vnsel vm15, $0x0, v63  }
0x79: {  	s12 =	rddreg [dreg:$0x3];
	[tilespmem:$0x16970] =	vst v3  }
0x7a: {  	[tilespmem:s4], [sflag:$0x1] =	stream.indirect.gather [hbm4b:s12+s10], $0x1, s3, s10, $0xb8;
	[tilespmem:$0x17180] =	vst v63  }
0x7b: {  	s7 =	simm.s32 $0x16A00;
	s13 =	rddreg [dreg:$0x4]  }
0x7c: {  	[tilespmem:s7], [sflag:$0x1] =	stream.indirect.gather [hbm4b:s13+s10], $0x1, s3, s10, $0xb8;
	[tilespmem:$0x17180] =	vst v63  }
0x7d: {  	s8 =	simm.s32 $0x16A80;
	s7 =	rddreg [dreg:$0x1]  }
0x7e: {  	[tilespmem:s8], [sflag:$0x1] =	stream.indirect.gather [hbm4b:s7+s10], $0x1, s3, s10, $0xb8;
	[tilespmem:$0x17180] =	vst v63  }
0x7f: {  	s11 =	simm.s32 $0x16B00;
	s9 =	rddreg [dreg:$0x5]  }
0x80: {  	[tilespmem:s11], [sflag:$0x1] =	stream.indirect.gather [hbm4b:s9+s10], $0x1, s3, s10, $0xb8;
	[tilespmem:$0x17180] =	vst v63  }
0x81: {  	s12 =	rddreg [dreg:$0x6];
	s13 =	simm.s32 $0x16B80  }
0x82: {  	[tilespmem:s13], [sflag:$0x1] =	stream.indirect.gather [hbm4b:s12+s10], $0x1, s3, s10, $0xb8;
	[tilespmem:$0x17180] =	vst v63  }
0x83: {  	s7 =	rddreg [dreg:$0x7];
	s8 =	simm.s32 $0x16C00  }
0x84: {  	[tilespmem:s8], [sflag:$0x1] =	stream.indirect.gather [hbm4b:s7+s10], $0x1, s3, s10, $0xb8;
	[tilespmem:$0x17180] =	vst v63  }
0x85: {  	s9 =	rddreg [dreg:$0x8];
	s11 =	simm.s32 $0x16C80  }
0x86: {  	[tilespmem:s11], [sflag:$0x1] =	stream.indirect.gather [hbm4b:s9+s10], $0x1, s3, s10, $0xb8;
	[tilespmem:$0x17180] =	vst v63  }
0x87: {  	s12 =	rddreg [dreg:$0x9];
	s13 =	simm.s32 $0x16D00  }
0x88: {  	[tilespmem:s13], [sflag:$0x1] =	stream.indirect.gather [hbm4b:s12+s10], $0x1, s3, s10, $0xb8;
	[tilespmem:$0x17180] =	vst v63  }
0x89: {  	s7 =	rddreg [dreg:$0xa];
	s8 =	simm.s32 $0x16D80  }
0x8a: {  	[tilespmem:s8], [sflag:$0x1] =	stream.indirect.gather [hbm4b:s7+s10], $0x1, s3, s10, $0xb8;
	[tilespmem:$0x17180] =	vst v63  }
0x8b: {  	s9 =	rddreg [dreg:$0xb];
	s11 =	simm.s32 $0x16E00  }
0x8c: {  	[tilespmem:s11], [sflag:$0x1] =	stream.indirect.gather [hbm4b:s9+s10], $0x1, s3, s10, $0xb8;
	[tilespmem:$0x17180] =	vst v63  }
0x8d: {  	s12 =	simm.s32 $0x16E80  }
0x8e: {  	[tilespmem:s12], [sflag:$0x1] =	stream.indirect.gather [hbm4b:s14+s10], $0x1, s3, s10, $0xb8;
	[tilespmem:$0x17180] =	vst v63  }
0x8f: {  	s13 =	simm.s32 $0x16F00  }
0x90: {  	[tilespmem:s13], [sflag:$0x1] =	stream.indirect.gather [hbm4b:s15+s10], $0x1, s3, s10, $0xb8;
	[tilespmem:$0x17180] =	vst v63  }
0x91: {  	s7 =	simm.s32 $0x16F80  }
0x92: {  	[tilespmem:s7], [sflag:$0x1] =	stream.indirect.gather [hbm4b:s16+s10], $0x1, s3, s10, $0xb8;
	[tilespmem:$0x17180] =	vst v63  }
0x93: {  	s8 =	simm.s32 $0x17000  }
0x94: {  	[tilespmem:s8], [sflag:$0x1] =	stream.indirect.gather [hbm4b:s17+s10], $0x1, s3, s10, $0xb8;
	[tilespmem:$0x17180] =	vst v63  }
0x95: {  	s9 =	simm.s32 $0x17080  }
0x96: {  	[tilespmem:s9], [sflag:$0x1] =	stream.indirect.gather [hbm4b:s18+s10], $0x1, s3, s10, $0xb8;
	[tilespmem:$0x17180] =	vst v63  }
0x97: {  	s11 =	simm.s32 $0x17100  }
0x98: {  	[tilespmem:s11], [sflag:$0x1] =	stream.indirect.gather [hbm4b:s19+s10], $0x1, s3, s10, $0xb8;
	[tilespmem:$0x17180] =	vst v63  }
0x99: {  	_ =	swait.ge [sflag:s2], $0x80  }
0x9a: {  	[sflag:s2] =	ssyncset.done $0x0  }
0x9b: {  	[sflag:s2] =	ssyncadd.s32 $0xFFFFFF80  }
0x9c: {  	_ =	swait.ge [sflag:s2], $0x80  }
0x9d: {  	[sflag:s2] =	ssyncset.done $0x0  }
0x9e: {  	[sflag:s2] =	ssyncadd.s32 $0xFFFFFF80  }
0x9f: {  	_ =	swait.ge [sflag:s2], $0x80  }
0xa0: {  	[sflag:s2] =	ssyncset.done $0x0  }
0xa1: {  	[sflag:s2] =	ssyncadd.s32 $0xFFFFFF80  }
0xa2: {  	_ =	swait.ge [sflag:s2], $0x80  }
0xa3: {  	[sflag:s2] =	ssyncset.done $0x0  }
0xa4: {  	[sflag:s2] =	ssyncadd.s32 $0xFFFFFF80  }
0xa5: {  	_ =	swait.ge [sflag:s2], $0x80  }
0xa6: {  	[sflag:s2] =	ssyncset.done $0x0  }
0xa7: {  	[sflag:s2] =	ssyncadd.s32 $0xFFFFFF80  }
0xa8: {  	_ =	swait.ge [sflag:s2], $0x80  }
0xa9: {  	[sflag:s2] =	ssyncset.done $0x0  }
0xaa: {  	[sflag:s2] =	ssyncadd.s32 $0xFFFFFF80  }
0xab: {  	_ =	swait.ge [sflag:s2], $0x80  }
0xac: {  	[sflag:s2] =	ssyncset.done $0x0  }
0xad: {  	[sflag:s2] =	ssyncadd.s32 $0xFFFFFF80  }
0xae: {  	_ =	swait.ge [sflag:s2], $0x80  }
0xaf: {  	[sflag:s2] =	ssyncset.done $0x0  }
0xb0: {  	[sflag:s2] =	ssyncadd.s32 $0xFFFFFF80  }
0xb1: {  	_ =	swait.ge [sflag:s2], $0x80  }
0xb2: {  	[sflag:s2] =	ssyncset.done $0x0  }
0xb3: {  	[sflag:s2] =	ssyncadd.s32 $0xFFFFFF80  }
0xb4: {  	_ =	swait.ge [sflag:s2], $0x80  }
0xb5: {  	[sflag:s2] =	ssyncset.done $0x0  }
0xb6: {  	[sflag:s2] =	ssyncadd.s32 $0xFFFFFF80  }
0xb7: {  	_ =	swait.ge [sflag:s2], $0x80  }
0xb8: {  	[sflag:s2] =	ssyncset.done $0x0  }
0xb9: {  	[sflag:s2] =	ssyncadd.s32 $0xFFFFFF80  }
0xba: {  	_ =	swait.ge [sflag:s2], $0x80  }
0xbb: {  	[sflag:s2] =	ssyncset.done $0x0  }
0xbc: {  	[sflag:s2] =	ssyncadd.s32 $0xFFFFFF80  }
0xbd: {  	_ =	swait.ge [sflag:s2], $0x80  }
0xbe: {  	[sflag:s2] =	ssyncset.done $0x0  }
0xbf: {  	[sflag:s2] =	ssyncadd.s32 $0xFFFFFF80  }
0xc0: {  	_ =	swait.ge [sflag:s2], $0x80  }
0xc1: {  	[sflag:s2] =	ssyncset.done $0x0  }
0xc2: {  	[sflag:s2] =	ssyncadd.s32 $0xFFFFFF80  }
0xc3: {  	_ =	swait.ge [sflag:s2], $0x80  }
0xc4: {  	[sflag:s2] =	ssyncset.done $0x0  }
0xc5: {  	[sflag:s2] =	ssyncadd.s32 $0xFFFFFF80  }
0xc6: {  	s5 =	sadd.s32 $0x1, s5;
	_ =	swait.ge [sflag:s2], $0x80  }
0xc7: {  	p0 =	sne.s32 s5, s25;
	s12 =	simm.s32 $0x400;
	[sflag:s2] =	ssyncset.done $0x0  }
.Ltmp5:
0xc8: {  	s13 =	simm.s32 $0x3D0C00;
	[sflag:s2] =	ssyncadd.s32 $0xFFFFFF80;
	(pc) =	sbr.rel @p0 .LBB2_1-.Ltmp5, $4  }
0xc9: {  	[hbm4b:s24+s12] =	stream.strided.scatter [tilespmem:s4], [sflag:$0x2], $0x800, s13, s12, $0x38;
	[tilespmem:$0x17180] =	vst v63  }
0xca: {  	_ =	swait.ge [sflag:s28], $0x800  }
0xcb: {  	[sflag:s28] =	ssyncset.done $0x0  }
0xcc: {  	[sflag:s28] =	ssyncadd.s32 $0xFFFFF800  }
0xcd: {  	_ =	sfence.sel $0x180000  }
0xce: {  	[bflag:$0x0] =	sbarrier.arrive $0xFFFF  }
0xcf: {  	_ =	strace $0x90000047  }
0xd0: {  	s0 =	stileid.u32;
	[bflag:$0x2] =	sbarrier.arrive $0xFFFF  }
0xd1: {  	p0 =	sne.s32 s0, $0x0;
	s0 =	rddreg [dreg:$0x2]  }
0xd2: {  	s0 =	sadd.s32 @!p0 $0x100000, s0  }
0xd3: {  	[sflag:s0] =	ssyncadd.tile.s32 @!p0 $0x1;
	_ =	shalt  }
.Lfunc_end2:
_tile_overlayer_lowered:
.L_overlay_start_2:
0xd4: {  	(tag) =	ssettag $0x2  }
0xd5: {  	s0 =	rddreg [dreg:$0x0];
	s2 =	stileid.u32  }
0xd6: {  	s1 =	rddreg [dreg:$0x1];
	p0 =	sne.s32 s2, $0x0  }
0xd7: {  	s3 =	rddreg [dreg:$0x2];
	[bflag:$0x3] =	sbarrier.arrive $0xFFFF;
	s2 =	simm.s32 @!p0 $0x1C02  }
0xd8: {  	[timem:s3], [sflag:s2] =	dma.local @!p0 [hbm:s0], s1  }
0xd9: {  	s0 =	simm.s32 @!p0 $0x2  }
0xda: {  	_ =	swait.ge @!p0 [sflag:s0], s1  }
0xdb: {  	s1 =	ssub.s32 @!p0 $0x0, s1;
	[sflag:s0] =	ssyncset.done @!p0 $0x0  }
0xdc: {  	[sflag:s0] =	ssyncadd.s32 @!p0 s1  }
0xdd: {  	[bflag:$0x3] =	sbarrier.arrive $0xFFFF  }
0xde: {  	_ =	shalt  }

</sc_bundles>
